<compile_context>
chip_gen: v7x
topology: tpu7x:2x2x1
jax: 0.10.2.dev20260603
libtpu: 0.0.44.dev20260713+nightly
codegen_flags: <defaults>
</compile_context>

<pallas_src>
import functools

import numpy as np
import jax
import jax.numpy as jnp
from jax import lax
from jax.experimental import pallas as pl
from jax.experimental.pallas import tpu as pltpu
from jax.experimental.pallas import tpu_sc as plsc

F32 = jnp.float32
B, F = 16, 8


def _mix_flat_indices():
    rng = np.random.default_rng(0)
    randidx = np.zeros((B, F), dtype=np.int64)
    perm = np.zeros((B, F), dtype=np.int64)
    for seg in range(B):
        ri = rng.integers(0, B - 1, size=F)
        ri[ri >= seg] += 1
        randidx[seg] = ri
        perm[seg] = rng.permutation(F)
    return (randidx * F + perm).reshape(-1).astype(np.int32)


_MIX_IDX = _mix_flat_indices()

_MASK9 = np.zeros((9, 49, 1), dtype=np.float32)
for _dy in range(3):
    for _dx in range(3):
        for _h in range(7):
            for _w in range(7):
                if 0 <= _h + _dy - 1 < 7 and 0 <= _w + _dx - 1 < 7:
                    _MASK9[_dy * 3 + _dx, _h * 7 + _w, 0] = 1.0
_SHIFTS9 = [(dy - 1) * 7 + (dx - 1) for dy in range(3) for dx in range(3)]

_PATCH_BM = 392
_SPA_BM = 784
_SPA_GRID = 6272 // _SPA_BM


BF16 = jnp.bfloat16


def _dot(a, b):
    return jnp.dot(a.astype(BF16), b.astype(BF16),
                   preferred_element_type=F32)


def _audio_mel_body(a_ref, w_ref, b_ref, x1_ref):
    a = a_ref[...].reshape(2000, 64)
    proj = _dot(a, w_ref[...]) + b_ref[...]
    m = jnp.mean(proj.reshape(4, 125, 4, 1024), axis=2)
    x1_ref[...] = m.reshape(4, 250, 512)


def _run_audio_mel(a3, melw2, melb2):
    out = pl.pallas_call(
        _audio_mel_body,
        grid=(4,),
        in_specs=[
            pl.BlockSpec((4, 500, 64), lambda i: (i, 0, 0)),
            pl.BlockSpec((64, 1024), lambda i: (0, 0)),
            pl.BlockSpec((1, 1024), lambda i: (0, 0)),
        ],
        out_specs=pl.BlockSpec((4, 250, 512), lambda i: (i, 0, 0)),
        out_shape=jax.ShapeDtypeStruct((16, 250, 512), F32),
        compiler_params=pltpu.CompilerParams(
            dimension_semantics=("parallel",)),
    )(a3, melw2, melb2)
    return out.reshape(4000, 512)


def _bn(z, g, b):
    m = jnp.mean(z, axis=0, keepdims=True)
    v = jnp.mean((z - m) ** 2, axis=0, keepdims=True)
    return (z - m) * lax.rsqrt(v + 1e-5) * g + b


def _audio_tc_body(x1_ref, w1_ref, g1_ref, b1_ref, w2a_ref, w2b_ref,
                   g2_ref, b2_ref, w3_ref, g3_ref, b3_ref,
                   caw_ref, cab_ref, fa_ref, emb_ref, pred_ref):
    x1 = x1_ref[...]
    ma = jnp.mean(x1.reshape(16, 250, 512), axis=1)
    pred_ref[...] = _dot(ma, caw_ref[...]) + cab_ref[...]
    r = lax.broadcasted_iota(jnp.int32, (4000, 1), 0)
    h = (r % 250) // 2
    z1 = jnp.zeros((4000, 512), F32)
    for d in range(3):
        delta = 2 * (d - 1)
        s = 2 * delta
        mask = ((h + delta >= 0) & (h + delta <= 124)).astype(F32)
        xs = jnp.roll(x1, -s, axis=0) if s else x1
        z1 = z1 + _dot(xs * mask, w1_ref[d])
    z1 = _bn(z1, g1_ref[...], b1_ref[...])
    z4 = z1.reshape(16, 125, 2, 512)[:, :124].reshape(16, 62, 2, 2, 512)
    p1 = jnp.maximum(z4[:, :, 0], z4[:, :, 1])
    p1 = jnp.maximum(p1, 0.0)
    xe = p1[:, :, 0].reshape(992, 512)
    xo = p1[:, :, 1].reshape(992, 512)
    z2 = _dot(xe, w2a_ref[...]) + _dot(xo, w2b_ref[...])
    z2 = jnp.maximum(_bn(z2, g2_ref[...], b2_ref[...]), 0.0)
    r2 = lax.broadcasted_iota(jnp.int32, (992, 1), 0)
    h2 = r2 % 62
    z3 = jnp.zeros((992, 512), F32)
    for d in range(3):
        delta = d - 1
        mask = ((h2 + delta >= 0) & (h2 + delta <= 61)).astype(F32)
        xs = jnp.roll(z2, -delta, axis=0) if delta else z2
        z3 = z3 + _dot(xs * mask, w3_ref[d])
    z3 = _bn(z3, g3_ref[...], b3_ref[...])
    z5 = z3.reshape(16, 31, 2, 512)
    fa = jnp.maximum(jnp.maximum(z5[:, :, 0], z5[:, :, 1]), 0.0)
    fa_ref[...] = fa.reshape(496, 512)
    emb_ref[...] = jnp.max(fa, axis=1)


def _run_audio_tc(x1, w1, g1, b1, w2a, w2b, g2, b2, w3, g3, b3, caw, cab):
    full = lambda shape: pl.BlockSpec(shape, lambda: tuple(0 for _ in shape))
    return pl.pallas_call(
        _audio_tc_body,
        in_specs=[full((4000, 512)), full((3, 512, 512)), full((1, 512)),
                  full((1, 512)), full((512, 512)), full((512, 512)),
                  full((1, 512)), full((1, 512)), full((3, 512, 512)),
                  full((1, 512)), full((1, 512)), full((512, 15)),
                  full((1, 15))],
        out_specs=[full((496, 512)), full((16, 512)), full((16, 15))],
        out_shape=[jax.ShapeDtypeStruct((496, 512), F32),
                   jax.ShapeDtypeStruct((16, 512), F32),
                   jax.ShapeDtypeStruct((16, 15), F32)],
    )(x1, w1, g1, b1, w2a, w2b, g2, b2, w3, g3, b3, caw, cab)


def _patch_body(x_ref, w_ref, b_ref, cw_ref, cb_ref,
                fv_ref, cam_ref, pred_ref):
    t = _dot(x_ref[...], w_ref[...]) + b_ref[...]
    fv = jnp.maximum(t, 0.0)
    fv_ref[...] = fv.astype(BF16)
    cam = _dot(fv, cw_ref[...]) + cb_ref[...]
    cam_ref[...] = jnp.maximum(cam, 0.0)
    pred_ref[...] = jnp.mean(cam.reshape(8, 49, 15), axis=1)


def _run_patch(xp, pw, pb, cw, cb):
    return pl.pallas_call(
        _patch_body,
        grid=(6272 // _PATCH_BM,),
        in_specs=[
            pl.BlockSpec((_PATCH_BM, 3072), lambda i: (i, 0)),
            pl.BlockSpec((3072, 512), lambda i: (0, 0)),
            pl.BlockSpec((1, 512), lambda i: (0, 0)),
            pl.BlockSpec((512, 15), lambda i: (0, 0)),
            pl.BlockSpec((1, 15), lambda i: (0, 0)),
        ],
        out_specs=[
            pl.BlockSpec((_PATCH_BM, 512), lambda i: (i, 0)),
            pl.BlockSpec((_PATCH_BM, 15), lambda i: (i, 0)),
            pl.BlockSpec((8, 15), lambda i: (i, 0)),
        ],
        out_shape=[jax.ShapeDtypeStruct((6272, 512), BF16),
                   jax.ShapeDtypeStruct((6272, 15), F32),
                   jax.ShapeDtypeStruct((128, 15), F32)],
        compiler_params=pltpu.CompilerParams(
            dimension_semantics=("parallel",)),
    )(xp, pw, pb, cw, cb)


def _spa_body(x_ref, w_ref, m_ref, z_ref, s_ref):
    x = x_ref[...]
    acc = jnp.zeros((_SPA_BM, 512), F32)
    for o in range(9):
        s = _SHIFTS9[o]
        xs = jnp.roll(x, -s, axis=0) if s else x
        acc = acc + _dot(xs * m_ref[o], w_ref[o])
    z_ref[...] = acc
    ssum = jnp.sum(acc, axis=0).reshape(1, 512)
    ssq = jnp.sum(acc * acc, axis=0).reshape(1, 512)
    s_ref[...] = jnp.concatenate(
        [ssum, ssq, jnp.zeros((6, 512), F32)], axis=0)


def _run_spa(fv, w9, masks):
    return pl.pallas_call(
        _spa_body,
        grid=(_SPA_GRID,),
        in_specs=[
            pl.BlockSpec((_SPA_BM, 512), lambda i: (i, 0)),
            pl.BlockSpec((9, 512, 512), lambda i: (0, 0, 0)),
            pl.BlockSpec((9, _SPA_BM, 1), lambda i: (0, 0, 0)),
        ],
        out_specs=[
            pl.BlockSpec((_SPA_BM, 512), lambda i: (i, 0)),
            pl.BlockSpec((8, 512), lambda i: (i, 0)),
        ],
        out_shape=[jax.ShapeDtypeStruct((6272, 512), F32),
                   jax.ShapeDtypeStruct((_SPA_GRID * 8, 512), F32)],
        compiler_params=pltpu.CompilerParams(
            dimension_semantics=("parallel",)),
    )(fv, w9, masks)


def _norm_body(z_ref, sc_ref, sh_ref, y_ref, emb_ref):
    y = jnp.maximum(z_ref[...] * sc_ref[...] + sh_ref[...], 0.0)
    y_ref[...] = y
    emb_ref[...] = jnp.max(y.reshape(8, 49, 512), axis=1)


def _run_norm(z, scale, shift):
    return pl.pallas_call(
        _norm_body,
        grid=(16,),
        in_specs=[
            pl.BlockSpec((392, 512), lambda i: (i, 0)),
            pl.BlockSpec((1, 512), lambda i: (0, 0)),
            pl.BlockSpec((1, 512), lambda i: (0, 0)),
        ],
        out_specs=[
            pl.BlockSpec((392, 512), lambda i: (i, 0)),
            pl.BlockSpec((8, 512), lambda i: (i, 0)),
        ],
        out_shape=[jax.ShapeDtypeStruct((6272, 512), F32),
                   jax.ShapeDtypeStruct((128, 512), F32)],
        compiler_params=pltpu.CompilerParams(
            dimension_semantics=("parallel",)),
    )(z, scale, shift)


def _mixed_gather(embed_v, idx):
    mesh = plsc.VectorSubcoreMesh(core_axis_name="c", subcore_axis_name="s")

    @functools.partial(
        pl.kernel, mesh=mesh,
        out_type=jax.ShapeDtypeStruct((128, 512), F32),
        scratch_types=[
            pltpu.VMEM((8,), jnp.int32),
            pltpu.VMEM((8, 512), F32),
            pltpu.SemaphoreType.DMA,
        ],
    )
    def gk(table_hbm, idx_hbm, out_hbm, idx_v, rows_v, sem):
        wid = lax.axis_index("s") * 2 + lax.axis_index("c")

        @pl.when(wid < 16)
        def _():
            base = wid * 8
            pltpu.sync_copy(idx_hbm.at[pl.ds(base, 8)], idx_v)
            pltpu.async_copy(table_hbm.at[idx_v], rows_v, sem).wait()
            pltpu.sync_copy(rows_v, out_hbm.at[pl.ds(base, 8)])

    return gk(embed_v, idx)


def _mlp_body(ea_ref, v_ref, m_ref, w1a_ref, w1v_ref, b1_ref,
              w2_ref, b2_ref, c_ref, d_ref):
    v = v_ref[...]
    mixed = m_ref[...]
    ha = _dot(ea_ref[...], w1a_ref[...]) + b1_ref[...]
    hv = _dot(v, w1v_ref[...]).reshape(16, 8, 128)
    hm = _dot(mixed, w1v_ref[...]).reshape(16, 8, 128)
    ch = jnp.maximum(hv + ha[:, None, :], 0.0).reshape(128, 128)
    dh = jnp.maximum(hm + ha[:, None, :], 0.0).reshape(128, 128)
    c_ref[...] = _dot(ch, w2_ref[...]) + b2_ref[...]
    d_ref[...] = _dot(dh, w2_ref[...]) + b2_ref[...]


def _run_mlp(embed_a, embed_v, mixed, w1a, w1v, b1, w2, b2):
    full = lambda shape: pl.BlockSpec(shape, lambda: tuple(0 for _ in shape))
    return pl.pallas_call(
        _mlp_body,
        in_specs=[full((16, 512)), full((128, 512)), full((128, 512)),
                  full((512, 128)), full((512, 128)), full((1, 128)),
                  full((128, 2)), full((1, 2))],
        out_specs=[full((128, 2)), full((128, 2))],
        out_shape=[jax.ShapeDtypeStruct((128, 2), F32),
                   jax.ShapeDtypeStruct((128, 2), F32)],
    )(embed_a, embed_v, mixed, w1a, w1v, b1, w2, b2)


def kernel(audio, visual, params):
    p = params
    melw2 = p['mel_w'].astype(BF16).reshape(
        64, 512, 2).transpose(0, 2, 1).reshape(64, 1024)
    melb2 = p['mel_b'].reshape(512, 2).T.reshape(1, 1024)
    w1 = jnp.transpose(p['tconv1'][:, :, :, 0].astype(BF16), (2, 1, 0))
    w2a = p['tconv2'][:, :, 0, 0].astype(BF16).T
    w2b = p['tconv2'][:, :, 0, 1].astype(BF16).T
    w3 = jnp.transpose(p['tconv3'][:, :, :, 0].astype(BF16), (2, 1, 0))
    w9 = jnp.transpose(p['sconv'].astype(BF16), (2, 3, 1, 0)).reshape(
        9, 512, 512)
    masks9 = jnp.asarray(np.tile(_MASK9, (1, _SPA_BM // 49, 1)),
                         dtype=BF16)
    mix_idx = jnp.asarray(_MIX_IDX)

    a3 = audio[:, :500, :]
    x1 = _run_audio_mel(a3, melw2, melb2)
    fa_flat, embed_a, pred_a = _run_audio_tc(
        x1, w1, p['tbn1_g'].reshape(1, 512), p['tbn1_b'].reshape(1, 512),
        w2a, w2b, p['tbn2_g'].reshape(1, 512), p['tbn2_b'].reshape(1, 512),
        w3, p['tbn3_g'].reshape(1, 512), p['tbn3_b'].reshape(1, 512),
        p['cls_a_w'], p['cls_a_b'].reshape(1, 15))
    feat_a_h = fa_flat.reshape(16, 31, 512).transpose(0, 2, 1).reshape(
        16, 512, 31, 1)

    xp = visual.astype(BF16).reshape(128, 3, 7, 32, 7, 32).transpose(
        0, 2, 4, 1, 3, 5).reshape(6272, 3072)
    fv, cam_flat, pred_v = _run_patch(
        xp, p['patch_w'].astype(BF16), p['patch_b'].reshape(1, 512),
        p['cls_v_w'], p['cls_v_b'].reshape(1, 15))
    cam_v = cam_flat.reshape(128, 49, 15).transpose(0, 2, 1).reshape(
        128, 15, 7, 7)

    z, stats = _run_spa(fv, w9, masks9)
    ssum = jnp.sum(stats[0::8], axis=0)
    ssq = jnp.sum(stats[1::8], axis=0)
    mean = ssum / 6272.0
    var = ssq / 6272.0 - mean * mean
    scale = p['sbn_g'] * lax.rsqrt(var + 1e-5)
    shift = p['sbn_b'] - mean * scale
    fvh_flat, embed_v = _run_norm(z, scale.reshape(1, 512),
                                  shift.reshape(1, 512))
    feat_v_h = fvh_flat.reshape(128, 49, 512).transpose(0, 2, 1).reshape(
        128, 512, 7, 7)

    mixed = _mixed_gather(embed_v, mix_idx)
    common_f, differ_f = _run_mlp(
        embed_a, embed_v, mixed,
        p['d_w1'][:512], p['d_w1'][512:], p['d_b1'].reshape(1, 128),
        p['d_w2'], p['d_b2'].reshape(1, 2))
    common = common_f.reshape(16, 8, 2)
    differ = differ_f.reshape(16, 8, 2)

    return common, differ, feat_a_h, feat_v_h, pred_a, pred_v, cam_v

# --- scband reference (transcript-rebuilt; emitter-appended) ---
"""Pipeline reference for scband-framework-31379031065122 (READ-ONLY COPY).

The authoritative reference and input builder live on the scoring server;
editing this copy changes nothing except your own understanding.
"""

import jax, jax.numpy as jnp
import numpy as np

FRAMES = 8
SEGMENTS = 16


def conv2d(x, w, stride=(1, 1), padding=((0, 0), (0, 0)), dilation=(1, 1)):
    return jax.lax.conv_general_dilated(x, w, window_strides=stride, padding=padding, rhs_dilation=dilation, dimension_numbers=('NCHW', 'OIHW', 'NCHW'))


def bn(x, g, b):
    m = x.mean((0, 2, 3), keepdims=True)
    v = x.var((0, 2, 3), keepdims=True)
    return (x - m) / jnp.sqrt(v + 1e-5) * g.reshape(1, -1, 1, 1) + b.reshape(1, -1, 1, 1)


def maxpool(x, win):
    return jax.lax.reduce_window(x, -jnp.inf, jax.lax.max, (1, 1, win[0], win[1]), (1, 1, win[0], win[1]), 'VALID')


def setup_inputs(seed: int = 0) -> dict:
    key = jax.random.key(seed)
    ks = jax.random.split(key, 16)
    def nrm(k, shape, s=0.02):
        return jax.random.normal(k, shape, dtype=jnp.float32) * s
    audio = jax.random.normal(ks[0], (SEGMENTS, 501, 64), dtype=jnp.float32)
    visual = jax.random.normal(ks[1], (SEGMENTS * FRAMES, 3, 224, 224), dtype=jnp.float32)
    params = {
        'mel_w': nrm(ks[2], (64, 1024)), 'mel_b': jnp.zeros((1024,), jnp.float32),
        'patch_w': nrm(ks[3], (3072, 512)), 'patch_b': jnp.zeros((512,), jnp.float32),
        'tconv1': nrm(ks[4], (512, 512, 3, 1)), 'tbn1_g': jnp.ones((512,), jnp.float32), 'tbn1_b': jnp.zeros((512,), jnp.float32),
        'tconv2': nrm(ks[5], (512, 512, 1, 2)), 'tbn2_g': jnp.ones((512,), jnp.float32), 'tbn2_b': jnp.zeros((512,), jnp.float32),
        'tconv3': nrm(ks[6], (512, 512, 3, 1)), 'tbn3_g': jnp.ones((512,), jnp.float32), 'tbn3_b': jnp.zeros((512,), jnp.float32),
        'sconv': nrm(ks[7], (512, 512, 3, 3)), 'sbn_g': jnp.ones((512,), jnp.float32), 'sbn_b': jnp.zeros((512,), jnp.float32),
        'd_w1': nrm(ks[8], (1024, 128)), 'd_b1': jnp.zeros((128,), jnp.float32),
        'd_w2': nrm(ks[9], (128, 2)), 'd_b2': jnp.zeros((2,), jnp.float32),
        'cls_v_w': nrm(ks[10], (512, 15)), 'cls_v_b': jnp.zeros((15,), jnp.float32),
        'cls_a_w': nrm(ks[11], (512, 15)), 'cls_a_b': jnp.zeros((15,), jnp.float32),
    }
    return {'audio': audio, 'visual': visual, 'params': params}


def _forward(audio, visual, params):
    B = SEGMENTS
    F = FRAMES
    # audio backbone stand-in (mobilecrnn_v2 'embed') -> feat_a [B,512,125,2]
    a = audio[:, :500, :]
    a = a @ params['mel_w'] + params['mel_b']
    a = a.reshape(B, 500, 512, 2)
    a = jnp.transpose(a, (0, 2, 1, 3))
    feat_a = a.reshape(B, 512, 125, 4, 2).mean(3)
    # visual backbone stand-in (resnet18 'bottom') -> feat_v [B*F,512,7,7]
    v = visual.reshape(-1, 3, 7, 32, 7, 32)
    v = jnp.transpose(v, (0, 2, 4, 1, 3, 5)).reshape(-1, 49, 3072)
    v = jax.nn.relu(v @ params['patch_w'] + params['patch_b'])
    feat_v = jnp.transpose(v, (0, 2, 1)).reshape(-1, 512, 7, 7)
    # 'cont' heads: class predictions and CAM
    cam_map = jnp.einsum('bchw,ck->bkhw', feat_v, params['cls_v_w']) + params['cls_v_b'].reshape(1, -1, 1, 1)
    pred_v = cam_map.mean((2, 3))
    cam_v = jax.nn.relu(cam_map)
    pred_a = feat_a.mean((2, 3)) @ params['cls_a_w'] + params['cls_a_b']
    # DiscrimHead.temp_conv
    x = conv2d(feat_a, params['tconv1'], padding=((2, 2), (0, 0)), dilation=(2, 1))
    x = bn(x, params['tbn1_g'], params['tbn1_b'])
    x = maxpool(x, (2, 1))
    x = jax.nn.relu(x)
    x = conv2d(x, params['tconv2'], stride=(1, 2))
    x = bn(x, params['tbn2_g'], params['tbn2_b'])
    x = jax.nn.relu(x)
    x = conv2d(x, params['tconv3'], padding=((1, 1), (0, 0)))
    x = bn(x, params['tbn3_g'], params['tbn3_b'])
    x = maxpool(x, (2, 1))
    feat_a_h = jax.nn.relu(x)
    # DiscrimHead.spa_conv (layer5 stand-in)
    y = conv2d(feat_v, params['sconv'], padding=((1, 1), (1, 1)))
    y = bn(y, params['sbn_g'], params['sbn_b'])
    feat_v_h = jax.nn.relu(y)
    # pooled embeddings
    embed_a = feat_a_h.max((2, 3))
    embed_a = jnp.repeat(embed_a[:, None, :], F, axis=1)
    embed_v = feat_v_h.max((2, 3)).reshape(B, F, 512)
    def discrim(z):
        h = jax.nn.relu(z @ params['d_w1'] + params['d_b1'])
        return h @ params['d_w2'] + params['d_b2']
    common = discrim(jnp.concatenate([embed_a, embed_v], -1))
    # mix=1, frames>1 branch: cross-segment shuffled negatives (fixed seed)
    rng = np.random.default_rng(0)
    randidx = np.zeros((B, F), dtype=np.int64)
    perm = np.zeros((B, F), dtype=np.int64)
    for seg in range(B):
        ri = rng.integers(0, B - 1, size=F)
        ri[ri >= seg] += 1
        randidx[seg] = ri
        perm[seg] = rng.permutation(F)
    mixed_v = embed_v[jnp.asarray(randidx), jnp.asarray(perm)]
    differ = discrim(jnp.concatenate([embed_a, mixed_v], -1))
    return common, differ, feat_a_h, feat_v_h, pred_a, pred_v, cam_v


def reference(audio, visual, params):
    return _forward(audio, visual, params)

if __name__ == "__main__":
    import jax
    _d = setup_inputs()
    print(jax.jit(kernel)(*tuple(_d.values())))

</pallas_src>

<mosaic_0001>
#map = affine_map<(d0, d1) -> (0, 0)>
#map1 = affine_map<(d0, d1) -> (0)>
module attributes {stable_mosaic.version = 14 : i64} {
  func.func @gk(%arg0: i32, %arg1: i32, %arg2: memref<128x512xf32, #tpu.memory_space<hbm>>, %arg3: memref<128xi32, #tpu.memory_space<hbm>>, %arg4: memref<128x512xf32, #tpu.memory_space<hbm>>, %arg5: memref<8xi32, #tpu.memory_space<vmem>>, %arg6: memref<8x512xf32, #tpu.memory_space<vmem>>, %arg7: memref<!tpu.dma_semaphore, #tpu.memory_space<semaphore_mem>>) attributes {dimension_semantics = [#tpu.dimension_semantics<core_parallel>, #tpu.dimension_semantics<subcore_parallel>], iteration_bounds = array<i64: 2, 16>, scalar_prefetch = 0 : i64, scratch_operands = 3 : i64, tpu.core_type = #tpu.core_type<sc_vector_subcore>, window_params = [{transform_indices = #map}, {transform_indices = #map1}, {transform_indices = #map}]} {
    %mul3A = arith.constant 2 : i32
    %mul3A_0 = arith.muli %arg1, %mul3A : i32
    %add3A = arith.addi %mul3A_0, %arg0 : i32
    %lt3A = arith.constant 16 : i32
    %lt3A_1 = arith.cmpi slt, %add3A, %lt3A : i32
    %convert_element_type3A = arith.extui %lt3A_1 : i1 to i32
    %cond3A = arith.constant 0 : i32
    %cond3A_2 = arith.cmpi ne, %convert_element_type3A, %cond3A : i32
    scf.if %cond3A_2 {
      %mul3A_3 = arith.constant 8 : i32
      %mul3A_4 = arith.muli %add3A, %mul3A_3 : i32
      "tpu.region"() ({
        %run_scoped3A = tpu.sem_alloc : memref<!tpu.dma_semaphore, #tpu.memory_space<semaphore_mem>>
        %dma_start3A_9 = tpu.memref_slice %arg3[%mul3A_4] : memref<128xi32, #tpu.memory_space<hbm>> -> memref<8xi32, #tpu.memory_space<hbm>>
        %dma_start3A_10 = tpu.memref_slice %arg3[%mul3A_4] : memref<128xi32, #tpu.memory_space<hbm>> -> memref<8xi32, #tpu.memory_space<hbm>>
        tpu.enqueue_dma source(%dma_start3A_10 : memref<8xi32, #tpu.memory_space<hbm>>) target(%arg5 : memref<8xi32, #tpu.memory_space<vmem>>) target_semaphore(%run_scoped3A : memref<!tpu.dma_semaphore, #tpu.memory_space<semaphore_mem>>)
        %dma_wait3A_11 = tpu.memref_slice %arg3[%mul3A_4] : memref<128xi32, #tpu.memory_space<hbm>> -> memref<8xi32, #tpu.memory_space<hbm>>
        %dma_wait3A_12 = tpu.memref_slice %arg3[%mul3A_4] : memref<128xi32, #tpu.memory_space<hbm>> -> memref<8xi32, #tpu.memory_space<hbm>>
        tpu.wait_dma2 semaphore(%run_scoped3A : memref<!tpu.dma_semaphore, #tpu.memory_space<semaphore_mem>>) src(%dma_wait3A_12 : memref<8xi32, #tpu.memory_space<hbm>>) dst(%arg5 : memref<8xi32, #tpu.memory_space<vmem>>)
        tpu.yield
      }) : () -> ()
      %dma_start3A = arith.constant 0 : i32
      %dma_start3A_5 = arith.constant 0 : i32
      %dma_start3A_6 = tpu.memref_slice %arg2[%dma_start3A, %dma_start3A_5] : memref<128x512xf32, #tpu.memory_space<hbm>> -> memref<128x512xf32, #tpu.memory_space<hbm>>
      tpu.enqueue_indirect_dma source(%dma_start3A_6 : memref<128x512xf32, #tpu.memory_space<hbm>>) target(%arg6 : memref<8x512xf32, #tpu.memory_space<vmem>>) offsets(%arg5 : memref<8xi32, #tpu.memory_space<vmem>>) semaphore(%arg7 : memref<!tpu.dma_semaphore, #tpu.memory_space<semaphore_mem>>)
      %dma_wait3A = arith.constant 0 : i32
      %dma_wait3A_7 = arith.constant 0 : i32
      %dma_wait3A_8 = tpu.memref_slice %arg2[%dma_wait3A, %dma_wait3A_7] : memref<128x512xf32, #tpu.memory_space<hbm>> -> memref<128x512xf32, #tpu.memory_space<hbm>>
      tpu.wait_indirect_dma semaphore(%arg7 : memref<!tpu.dma_semaphore, #tpu.memory_space<semaphore_mem>>) src(%dma_wait3A_8 : memref<128x512xf32, #tpu.memory_space<hbm>>) dst(%arg6 : memref<8x512xf32, #tpu.memory_space<vmem>>)
      "tpu.region"() ({
        %run_scoped3A = tpu.sem_alloc : memref<!tpu.dma_semaphore, #tpu.memory_space<semaphore_mem>>
        %dma_start3A_9 = arith.constant 0 : i32
        %dma_start3A_10 = tpu.memref_slice %arg4[%mul3A_4, %dma_start3A_9] : memref<128x512xf32, #tpu.memory_space<hbm>> -> memref<8x512xf32, #tpu.memory_space<hbm>>
        %dma_start3A_11 = arith.constant 0 : i32
        %dma_start3A_12 = tpu.memref_slice %arg4[%mul3A_4, %dma_start3A_11] : memref<128x512xf32, #tpu.memory_space<hbm>> -> memref<8x512xf32, #tpu.memory_space<hbm>>
        tpu.enqueue_dma source(%arg6 : memref<8x512xf32, #tpu.memory_space<vmem>>) target(%dma_start3A_12 : memref<8x512xf32, #tpu.memory_space<hbm>>) target_semaphore(%run_scoped3A : memref<!tpu.dma_semaphore, #tpu.memory_space<semaphore_mem>>)
        %dma_wait3A_13 = arith.constant 0 : i32
        %dma_wait3A_14 = tpu.memref_slice %arg4[%mul3A_4, %dma_wait3A_13] : memref<128x512xf32, #tpu.memory_space<hbm>> -> memref<8x512xf32, #tpu.memory_space<hbm>>
        %dma_wait3A_15 = arith.constant 0 : i32
        %dma_wait3A_16 = tpu.memref_slice %arg4[%mul3A_4, %dma_wait3A_15] : memref<128x512xf32, #tpu.memory_space<hbm>> -> memref<8x512xf32, #tpu.memory_space<hbm>>
        tpu.wait_dma2 semaphore(%run_scoped3A : memref<!tpu.dma_semaphore, #tpu.memory_space<semaphore_mem>>) src(%arg6 : memref<8x512xf32, #tpu.memory_space<vmem>>) dst(%dma_wait3A_16 : memref<8x512xf32, #tpu.memory_space<hbm>>)
        tpu.yield
      }) : () -> ()
    } else {
    }
    return
  }
}

module attributes {stable_mosaic.version = 14 : i64} {
  func.func @_patch_body(%arg0: i32, %arg1: memref<392x3072xbf16, #tpu.memory_space<vmem>>, %arg2: memref<3072x512xbf16, #tpu.memory_space<vmem>>, %arg3: memref<1x512xf32, #tpu.memory_space<vmem>>, %arg4: memref<512x15xf32, #tpu.memory_space<vmem>>, %arg5: memref<1x15xf32, #tpu.memory_space<vmem>>, %arg6: memref<392x512xbf16, #tpu.memory_space<vmem>>, %arg7: memref<392x15xf32, #tpu.memory_space<vmem>>, %arg8: memref<8x15xf32, #tpu.memory_space<vmem>>) attributes {dimension_semantics = [#tpu.dimension_semantics<parallel>], iteration_bounds = array<i64: 16>, scalar_prefetch = 0 : i64, scratch_operands = 0 : i64, tpu.core_type = #tpu.core_type<tc>, window_params = [{transform_indices = @transform_0, window_bounds = array<i64: 392, 3072>}, {pipeline_mode = #tpu.pipeline_mode<synchronous>, transform_indices = @transform_1, window_bounds = array<i64: 3072, 512>}, {pipeline_mode = #tpu.pipeline_mode<synchronous>, transform_indices = @transform_2, window_bounds = array<i64: 1, 512>}, {pipeline_mode = #tpu.pipeline_mode<synchronous>, transform_indices = @transform_3, window_bounds = array<i64: 512, 15>}, {pipeline_mode = #tpu.pipeline_mode<synchronous>, transform_indices = @transform_4, window_bounds = array<i64: 1, 15>}, {transform_indices = @transform_5, window_bounds = array<i64: 392, 512>}, {transform_indices = @transform_6, window_bounds = array<i64: 392, 15>}, {transform_indices = @transform_7, window_bounds = array<i64: 8, 15>}]} {
    %get3A = arith.constant 0 : index
    %get3A_0 = arith.constant 0 : index
    %get3A_1 = vector.load %arg1[%get3A, %get3A_0] : memref<392x3072xbf16, #tpu.memory_space<vmem>>, vector<392x3072xbf16>
    %get3A_2 = arith.constant 0 : index
    %get3A_3 = arith.constant 0 : index
    %get3A_4 = vector.load %arg2[%get3A_2, %get3A_3] : memref<3072x512xbf16, #tpu.memory_space<vmem>>, vector<3072x512xbf16>
    %dot_general3A = arith.constant dense<0.000000e+00> : vector<392x512xf32>
    %dot_general3A_5 = tpu.matmul %get3A_1, %get3A_4, %dot_general3A {dimension_numbers = #tpu.dot_dimension_numbers<[1], [0], [0], [1], [0, 0, 1, 1], [], []>, transpose_lhs_hint = false} : vector<392x3072xbf16>, vector<3072x512xbf16>, vector<392x512xf32> -> vector<392x512xf32>
    %get3A_6 = arith.constant 0 : index
    %get3A_7 = arith.constant 0 : index
    %get3A_8 = vector.load %arg3[%get3A_6, %get3A_7] : memref<1x512xf32, #tpu.memory_space<vmem>>, vector<1x512xf32>
    %add3A = vector.broadcast %get3A_8 : vector<1x512xf32> to vector<392x512xf32>
    %add3A_9 = arith.addf %dot_general3A_5, %add3A : vector<392x512xf32>
    %max3A = arith.constant 0.000000e+00 : f32
    %max3A_10 = vector.broadcast %max3A : f32 to vector<392x512xf32>
    %max3A_11 = arith.maximumf %add3A_9, %max3A_10 : vector<392x512xf32>
    %convert_element_type3A = arith.truncf %max3A_11 : vector<392x512xf32> to vector<392x512xbf16>
    %swap3A = arith.constant 0 : index
    %swap3A_12 = arith.constant 0 : index
    %swap3A_13 = vector.load %arg6[%swap3A, %swap3A_12] : memref<392x512xbf16, #tpu.memory_space<vmem>>, vector<392x512xbf16>
    tpu.vector_store %arg6[%swap3A, %swap3A_12], %convert_element_type3A {strides = array<i32>} : memref<392x512xbf16, #tpu.memory_space<vmem>>, vector<392x512xbf16>,
    %get3A_14 = arith.constant 0 : index
    %get3A_15 = arith.constant 0 : index
    %get3A_16 = vector.load %arg4[%get3A_14, %get3A_15] : memref<512x15xf32, #tpu.memory_space<vmem>>, vector<512x15xf32>
    %convert_element_type3A_17 = arith.truncf %max3A_11 : vector<392x512xf32> to vector<392x512xbf16>
    %convert_element_type3A_18 = arith.truncf %get3A_16 : vector<512x15xf32> to vector<512x15xbf16>
    %dot_general3A_19 = arith.constant dense<0.000000e+00> : vector<392x15xf32>
    %dot_general3A_20 = tpu.matmul %convert_element_type3A_17, %convert_element_type3A_18, %dot_general3A_19 {dimension_numbers = #tpu.dot_dimension_numbers<[1], [0], [0], [1], [0, 0, 1, 1], [], []>, transpose_lhs_hint = false} : vector<392x512xbf16>, vector<512x15xbf16>, vector<392x15xf32> -> vector<392x15xf32>
    %get3A_21 = arith.constant 0 : index
    %get3A_22 = arith.constant 0 : index
    %get3A_23 = vector.load %arg5[%get3A_21, %get3A_22] : memref<1x15xf32, #tpu.memory_space<vmem>>, vector<1x15xf32>
    %add3A_24 = vector.broadcast %get3A_23 : vector<1x15xf32> to vector<392x15xf32>
    %add3A_25 = arith.addf %dot_general3A_20, %add3A_24 : vector<392x15xf32>
    %max3A_26 = arith.constant 0.000000e+00 : f32
    %max3A_27 = vector.broadcast %max3A_26 : f32 to vector<392x15xf32>
    %max3A_28 = arith.maximumf %add3A_25, %max3A_27 : vector<392x15xf32>
    %swap3A_29 = arith.constant 0 : index
    %swap3A_30 = arith.constant 0 : index
    %swap3A_31 = vector.load %arg7[%swap3A_29, %swap3A_30] : memref<392x15xf32, #tpu.memory_space<vmem>>, vector<392x15xf32>
    tpu.vector_store %arg7[%swap3A_29, %swap3A_30], %max3A_28 {strides = array<i32>} : memref<392x15xf32, #tpu.memory_space<vmem>>, vector<392x15xf32>,
    %reshape3A = vector.shape_cast %add3A_25 : vector<392x15xf32> to vector<8x49x15xf32>
    %reduce_sum3A = arith.constant dense<0.000000e+00> : vector<8x15xf32>
    %reduce_sum3A_32 = vector.multi_reduction <add>, %reshape3A, %reduce_sum3A [1] : vector<8x49x15xf32> to vector<8x15xf32>
    %div3A = arith.constant 4.900000e+01 : f32
    %div3A_33 = vector.broadcast %div3A : f32 to vector<8x15xf32>
    %div3A_34 = arith.divf %reduce_sum3A_32, %div3A_33 : vector<8x15xf32>
    %swap3A_35 = arith.constant 0 : index
    %swap3A_36 = arith.constant 0 : index
    %swap3A_37 = vector.load %arg8[%swap3A_35, %swap3A_36] : memref<8x15xf32, #tpu.memory_space<vmem>>, vector<8x15xf32>
    tpu.vector_store %arg8[%swap3A_35, %swap3A_36], %div3A_34 {strides = array<i32>} : memref<8x15xf32, #tpu.memory_space<vmem>>, vector<8x15xf32>,
    return
  }
  func.func @transform_0(%arg0: i32) -> (i32, i32) {
    %c0_i32 = arith.constant 0 : i32
    %c0_i32_0 = arith.constant 0 : i32
    return %arg0, %c0_i32 : i32, i32
  }
  func.func @transform_1(%arg0: i32) -> (i32, i32) {
    %c0_i32 = arith.constant 0 : i32
    %c0_i32_0 = arith.constant 0 : i32
    %c0_i32_1 = arith.constant 0 : i32
    return %c0_i32, %c0_i32_0 : i32, i32
  }
  func.func @transform_2(%arg0: i32) -> (i32, i32) {
    %c0_i32 = arith.constant 0 : i32
    %c0_i32_0 = arith.constant 0 : i32
    %c0_i32_1 = arith.constant 0 : i32
    return %c0_i32, %c0_i32_0 : i32, i32
  }
  func.func @transform_3(%arg0: i32) -> (i32, i32) {
    %c0_i32 = arith.constant 0 : i32
    %c0_i32_0 = arith.constant 0 : i32
    %c0_i32_1 = arith.constant 0 : i32
    return %c0_i32, %c0_i32_0 : i32, i32
  }
  func.func @transform_4(%arg0: i32) -> (i32, i32) {
    %c0_i32 = arith.constant 0 : i32
    %c0_i32_0 = arith.constant 0 : i32
    %c0_i32_1 = arith.constant 0 : i32
    return %c0_i32, %c0_i32_0 : i32, i32
  }
  func.func @transform_5(%arg0: i32) -> (i32, i32) {
    %c0_i32 = arith.constant 0 : i32
    %c0_i32_0 = arith.constant 0 : i32
    return %arg0, %c0_i32 : i32, i32
  }
  func.func @transform_6(%arg0: i32) -> (i32, i32) {
    %c0_i32 = arith.constant 0 : i32
    %c0_i32_0 = arith.constant 0 : i32
    return %arg0, %c0_i32 : i32, i32
  }
  func.func @transform_7(%arg0: i32) -> (i32, i32) {
    %c0_i32 = arith.constant 0 : i32
    %c0_i32_0 = arith.constant 0 : i32
    return %arg0, %c0_i32 : i32, i32
  }
}

module attributes {stable_mosaic.version = 14 : i64} {
  func.func @_spa_body(%arg0: i32, %arg1: memref<784x512xbf16, #tpu.memory_space<vmem>>, %arg2: memref<9x512x512xbf16, #tpu.memory_space<vmem>>, %arg3: memref<9x784x1xbf16, #tpu.memory_space<vmem>>, %arg4: memref<784x512xf32, #tpu.memory_space<vmem>>, %arg5: memref<8x512xf32, #tpu.memory_space<vmem>>) attributes {dimension_semantics = [#tpu.dimension_semantics<parallel>], iteration_bounds = array<i64: 8>, scalar_prefetch = 0 : i64, scratch_operands = 0 : i64, tpu.core_type = #tpu.core_type<tc>, window_params = [{transform_indices = @transform_0, window_bounds = array<i64: 784, 512>}, {pipeline_mode = #tpu.pipeline_mode<synchronous>, transform_indices = @transform_1, window_bounds = array<i64: 9, 512, 512>}, {pipeline_mode = #tpu.pipeline_mode<synchronous>, transform_indices = @transform_2, window_bounds = array<i64: 9, 784, 1>}, {transform_indices = @transform_3, window_bounds = array<i64: 784, 512>}, {transform_indices = @transform_4, window_bounds = array<i64: 8, 512>}]} {
    %get3A = arith.constant 0 : index
    %get3A_0 = arith.constant 0 : index
    %get3A_1 = vector.load %arg1[%get3A, %get3A_0] : memref<784x512xbf16, #tpu.memory_space<vmem>>, vector<784x512xbf16>
    %broadcast_in_dim3A = arith.constant 0.000000e+00 : f32
    %broadcast_in_dim3A_2 = vector.broadcast %broadcast_in_dim3A : f32 to vector<784x512xf32>
    %slice3A = vector.extract_strided_slice %get3A_1 {offsets = [776, 0], sizes = [8, 512], strides = [1, 1]} : vector<784x512xbf16> to vector<8x512xbf16>
    %slice3A_3 = vector.extract_strided_slice %get3A_1 {offsets = [0, 0], sizes = [776, 512], strides = [1, 1]} : vector<784x512xbf16> to vector<776x512xbf16>
    %concatenate3A = tpu.concatenate %slice3A, %slice3A_3 in 0 : vector<8x512xbf16>, vector<776x512xbf16> -> vector<784x512xbf16>
    %get3A_4 = arith.constant 0 : index
    %get3A_5 = arith.constant 0 : index
    %get3A_6 = arith.constant 0 : index
    %get3A_7 = vector.load %arg3[%get3A_4, %get3A_5, %get3A_6] : memref<9x784x1xbf16, #tpu.memory_space<vmem>>, vector<1x784x1xbf16>
    %get3A_8 = vector.shape_cast %get3A_7 : vector<1x784x1xbf16> to vector<784x1xbf16>
    %mul3A = vector.broadcast %get3A_8 : vector<784x1xbf16> to vector<784x512xbf16>
    %mul3A_9 = arith.mulf %concatenate3A, %mul3A : vector<784x512xbf16>
    %get3A_10 = arith.constant 0 : index
    %get3A_11 = arith.constant 0 : index
    %get3A_12 = arith.constant 0 : index
    %get3A_13 = vector.load %arg2[%get3A_10, %get3A_11, %get3A_12] : memref<9x512x512xbf16, #tpu.memory_space<vmem>>, vector<1x512x512xbf16>
    %get3A_14 = vector.shape_cast %get3A_13 : vector<1x512x512xbf16> to vector<512x512xbf16>
    %dot_general3A = arith.constant dense<0.000000e+00> : vector<784x512xf32>
    %dot_general3A_15 = tpu.matmul %mul3A_9, %get3A_14, %dot_general3A {dimension_numbers = #tpu.dot_dimension_numbers<[1], [0], [0], [1], [0, 0, 1, 1], [], []>, transpose_lhs_hint = false} : vector<784x512xbf16>, vector<512x512xbf16>, vector<784x512xf32> -> vector<784x512xf32>
    %add3A = arith.addf %broadcast_in_dim3A_2, %dot_general3A_15 : vector<784x512xf32>
    %slice3A_16 = vector.extract_strided_slice %get3A_1 {offsets = [777, 0], sizes = [7, 512], strides = [1, 1]} : vector<784x512xbf16> to vector<7x512xbf16>
    %slice3A_17 = vector.extract_strided_slice %get3A_1 {offsets = [0, 0], sizes = [777, 512], strides = [1, 1]} : vector<784x512xbf16> to vector<777x512xbf16>
    %concatenate3A_18 = tpu.concatenate %slice3A_16, %slice3A_17 in 0 : vector<7x512xbf16>, vector<777x512xbf16> -> vector<784x512xbf16>
    %get3A_19 = arith.constant 1 : index
    %get3A_20 = arith.constant 0 : index
    %get3A_21 = arith.constant 0 : index
    %get3A_22 = vector.load %arg3[%get3A_19, %get3A_20, %get3A_21] : memref<9x784x1xbf16, #tpu.memory_space<vmem>>, vector<1x784x1xbf16>
    %get3A_23 = vector.shape_cast %get3A_22 : vector<1x784x1xbf16> to vector<784x1xbf16>
    %mul3A_24 = vector.broadcast %get3A_23 : vector<784x1xbf16> to vector<784x512xbf16>
    %mul3A_25 = arith.mulf %concatenate3A_18, %mul3A_24 : vector<784x512xbf16>
    %get3A_26 = arith.constant 1 : index
    %get3A_27 = arith.constant 0 : index
    %get3A_28 = arith.constant 0 : index
    %get3A_29 = vector.load %arg2[%get3A_26, %get3A_27, %get3A_28] : memref<9x512x512xbf16, #tpu.memory_space<vmem>>, vector<1x512x512xbf16>
    %get3A_30 = vector.shape_cast %get3A_29 : vector<1x512x512xbf16> to vector<512x512xbf16>
    %dot_general3A_31 = arith.constant dense<0.000000e+00> : vector<784x512xf32>
    %dot_general3A_32 = tpu.matmul %mul3A_25, %get3A_30, %dot_general3A_31 {dimension_numbers = #tpu.dot_dimension_numbers<[1], [0], [0], [1], [0, 0, 1, 1], [], []>, transpose_lhs_hint = false} : vector<784x512xbf16>, vector<512x512xbf16>, vector<784x512xf32> -> vector<784x512xf32>
    %add3A_33 = arith.addf %add3A, %dot_general3A_32 : vector<784x512xf32>
    %slice3A_34 = vector.extract_strided_slice %get3A_1 {offsets = [778, 0], sizes = [6, 512], strides = [1, 1]} : vector<784x512xbf16> to vector<6x512xbf16>
    %slice3A_35 = vector.extract_strided_slice %get3A_1 {offsets = [0, 0], sizes = [778, 512], strides = [1, 1]} : vector<784x512xbf16> to vector<778x512xbf16>
    %concatenate3A_36 = tpu.concatenate %slice3A_34, %slice3A_35 in 0 : vector<6x512xbf16>, vector<778x512xbf16> -> vector<784x512xbf16>
    %get3A_37 = arith.constant 2 : index
    %get3A_38 = arith.constant 0 : index
    %get3A_39 = arith.constant 0 : index
    %get3A_40 = vector.load %arg3[%get3A_37, %get3A_38, %get3A_39] : memref<9x784x1xbf16, #tpu.memory_space<vmem>>, vector<1x784x1xbf16>
    %get3A_41 = vector.shape_cast %get3A_40 : vector<1x784x1xbf16> to vector<784x1xbf16>
    %mul3A_42 = vector.broadcast %get3A_41 : vector<784x1xbf16> to vector<784x512xbf16>
    %mul3A_43 = arith.mulf %concatenate3A_36, %mul3A_42 : vector<784x512xbf16>
    %get3A_44 = arith.constant 2 : index
    %get3A_45 = arith.constant 0 : index
    %get3A_46 = arith.constant 0 : index
    %get3A_47 = vector.load %arg2[%get3A_44, %get3A_45, %get3A_46] : memref<9x512x512xbf16, #tpu.memory_space<vmem>>, vector<1x512x512xbf16>
    %get3A_48 = vector.shape_cast %get3A_47 : vector<1x512x512xbf16> to vector<512x512xbf16>
    %dot_general3A_49 = arith.constant dense<0.000000e+00> : vector<784x512xf32>
    %dot_general3A_50 = tpu.matmul %mul3A_43, %get3A_48, %dot_general3A_49 {dimension_numbers = #tpu.dot_dimension_numbers<[1], [0], [0], [1], [0, 0, 1, 1], [], []>, transpose_lhs_hint = false} : vector<784x512xbf16>, vector<512x512xbf16>, vector<784x512xf32> -> vector<784x512xf32>
    %add3A_51 = arith.addf %add3A_33, %dot_general3A_50 : vector<784x512xf32>
    %slice3A_52 = vector.extract_strided_slice %get3A_1 {offsets = [783, 0], sizes = [1, 512], strides = [1, 1]} : vector<784x512xbf16> to vector<1x512xbf16>
    %slice3A_53 = vector.extract_strided_slice %get3A_1 {offsets = [0, 0], sizes = [783, 512], strides = [1, 1]} : vector<784x512xbf16> to vector<783x512xbf16>
    %concatenate3A_54 = tpu.concatenate %slice3A_52, %slice3A_53 in 0 : vector<1x512xbf16>, vector<783x512xbf16> -> vector<784x512xbf16>
    %get3A_55 = arith.constant 3 : index
    %get3A_56 = arith.constant 0 : index
    %get3A_57 = arith.constant 0 : index
    %get3A_58 = vector.load %arg3[%get3A_55, %get3A_56, %get3A_57] : memref<9x784x1xbf16, #tpu.memory_space<vmem>>, vector<1x784x1xbf16>
    %get3A_59 = vector.shape_cast %get3A_58 : vector<1x784x1xbf16> to vector<784x1xbf16>
    %mul3A_60 = vector.broadcast %get3A_59 : vector<784x1xbf16> to vector<784x512xbf16>
    %mul3A_61 = arith.mulf %concatenate3A_54, %mul3A_60 : vector<784x512xbf16>
    %get3A_62 = arith.constant 3 : index
    %get3A_63 = arith.constant 0 : index
    %get3A_64 = arith.constant 0 : index
    %get3A_65 = vector.load %arg2[%get3A_62, %get3A_63, %get3A_64] : memref<9x512x512xbf16, #tpu.memory_space<vmem>>, vector<1x512x512xbf16>
    %get3A_66 = vector.shape_cast %get3A_65 : vector<1x512x512xbf16> to vector<512x512xbf16>
    %dot_general3A_67 = arith.constant dense<0.000000e+00> : vector<784x512xf32>
    %dot_general3A_68 = tpu.matmul %mul3A_61, %get3A_66, %dot_general3A_67 {dimension_numbers = #tpu.dot_dimension_numbers<[1], [0], [0], [1], [0, 0, 1, 1], [], []>, transpose_lhs_hint = false} : vector<784x512xbf16>, vector<512x512xbf16>, vector<784x512xf32> -> vector<784x512xf32>
    %add3A_69 = arith.addf %add3A_51, %dot_general3A_68 : vector<784x512xf32>
    %get3A_70 = arith.constant 4 : index
    %get3A_71 = arith.constant 0 : index
    %get3A_72 = arith.constant 0 : index
    %get3A_73 = vector.load %arg3[%get3A_70, %get3A_71, %get3A_72] : memref<9x784x1xbf16, #tpu.memory_space<vmem>>, vector<1x784x1xbf16>
    %get3A_74 = vector.shape_cast %get3A_73 : vector<1x784x1xbf16> to vector<784x1xbf16>
    %mul3A_75 = vector.broadcast %get3A_74 : vector<784x1xbf16> to vector<784x512xbf16>
    %mul3A_76 = arith.mulf %get3A_1, %mul3A_75 : vector<784x512xbf16>
    %get3A_77 = arith.constant 4 : index
    %get3A_78 = arith.constant 0 : index
    %get3A_79 = arith.constant 0 : index
    %get3A_80 = vector.load %arg2[%get3A_77, %get3A_78, %get3A_79] : memref<9x512x512xbf16, #tpu.memory_space<vmem>>, vector<1x512x512xbf16>
    %get3A_81 = vector.shape_cast %get3A_80 : vector<1x512x512xbf16> to vector<512x512xbf16>
    %dot_general3A_82 = arith.constant dense<0.000000e+00> : vector<784x512xf32>
    %dot_general3A_83 = tpu.matmul %mul3A_76, %get3A_81, %dot_general3A_82 {dimension_numbers = #tpu.dot_dimension_numbers<[1], [0], [0], [1], [0, 0, 1, 1], [], []>, transpose_lhs_hint = false} : vector<784x512xbf16>, vector<512x512xbf16>, vector<784x512xf32> -> vector<784x512xf32>
    %add3A_84 = arith.addf %add3A_69, %dot_general3A_83 : vector<784x512xf32>
    %slice3A_85 = vector.extract_strided_slice %get3A_1 {offsets = [1, 0], sizes = [783, 512], strides = [1, 1]} : vector<784x512xbf16> to vector<783x512xbf16>
    %slice3A_86 = vector.extract_strided_slice %get3A_1 {offsets = [0, 0], sizes = [1, 512], strides = [1, 1]} : vector<784x512xbf16> to vector<1x512xbf16>
    %concatenate3A_87 = tpu.concatenate %slice3A_85, %slice3A_86 in 0 : vector<783x512xbf16>, vector<1x512xbf16> -> vector<784x512xbf16>
    %get3A_88 = arith.constant 5 : index
    %get3A_89 = arith.constant 0 : index
    %get3A_90 = arith.constant 0 : index
    %get3A_91 = vector.load %arg3[%get3A_88, %get3A_89, %get3A_90] : memref<9x784x1xbf16, #tpu.memory_space<vmem>>, vector<1x784x1xbf16>
    %get3A_92 = vector.shape_cast %get3A_91 : vector<1x784x1xbf16> to vector<784x1xbf16>
    %mul3A_93 = vector.broadcast %get3A_92 : vector<784x1xbf16> to vector<784x512xbf16>
    %mul3A_94 = arith.mulf %concatenate3A_87, %mul3A_93 : vector<784x512xbf16>
    %get3A_95 = arith.constant 5 : index
    %get3A_96 = arith.constant 0 : index
    %get3A_97 = arith.constant 0 : index
    %get3A_98 = vector.load %arg2[%get3A_95, %get3A_96, %get3A_97] : memref<9x512x512xbf16, #tpu.memory_space<vmem>>, vector<1x512x512xbf16>
    %get3A_99 = vector.shape_cast %get3A_98 : vector<1x512x512xbf16> to vector<512x512xbf16>
    %dot_general3A_100 = arith.constant dense<0.000000e+00> : vector<784x512xf32>
    %dot_general3A_101 = tpu.matmul %mul3A_94, %get3A_99, %dot_general3A_100 {dimension_numbers = #tpu.dot_dimension_numbers<[1], [0], [0], [1], [0, 0, 1, 1], [], []>, transpose_lhs_hint = false} : vector<784x512xbf16>, vector<512x512xbf16>, vector<784x512xf32> -> vector<784x512xf32>
    %add3A_102 = arith.addf %add3A_84, %dot_general3A_101 : vector<784x512xf32>
    %slice3A_103 = vector.extract_strided_slice %get3A_1 {offsets = [6, 0], sizes = [778, 512], strides = [1, 1]} : vector<784x512xbf16> to vector<778x512xbf16>
    %slice3A_104 = vector.extract_strided_slice %get3A_1 {offsets = [0, 0], sizes = [6, 512], strides = [1, 1]} : vector<784x512xbf16> to vector<6x512xbf16>
    %concatenate3A_105 = tpu.concatenate %slice3A_103, %slice3A_104 in 0 : vector<778x512xbf16>, vector<6x512xbf16> -> vector<784x512xbf16>
    %get3A_106 = arith.constant 6 : index
    %get3A_107 = arith.constant 0 : index
    %get3A_108 = arith.constant 0 : index
    %get3A_109 = vector.load %arg3[%get3A_106, %get3A_107, %get3A_108] : memref<9x784x1xbf16, #tpu.memory_space<vmem>>, vector<1x784x1xbf16>
    %get3A_110 = vector.shape_cast %get3A_109 : vector<1x784x1xbf16> to vector<784x1xbf16>
    %mul3A_111 = vector.broadcast %get3A_110 : vector<784x1xbf16> to vector<784x512xbf16>
    %mul3A_112 = arith.mulf %concatenate3A_105, %mul3A_111 : vector<784x512xbf16>
    %get3A_113 = arith.constant 6 : index
    %get3A_114 = arith.constant 0 : index
    %get3A_115 = arith.constant 0 : index
    %get3A_116 = vector.load %arg2[%get3A_113, %get3A_114, %get3A_115] : memref<9x512x512xbf16, #tpu.memory_space<vmem>>, vector<1x512x512xbf16>
    %get3A_117 = vector.shape_cast %get3A_116 : vector<1x512x512xbf16> to vector<512x512xbf16>
    %dot_general3A_118 = arith.constant dense<0.000000e+00> : vector<784x512xf32>
    %dot_general3A_119 = tpu.matmul %mul3A_112, %get3A_117, %dot_general3A_118 {dimension_numbers = #tpu.dot_dimension_numbers<[1], [0], [0], [1], [0, 0, 1, 1], [], []>, transpose_lhs_hint = false} : vector<784x512xbf16>, vector<512x512xbf16>, vector<784x512xf32> -> vector<784x512xf32>
    %add3A_120 = arith.addf %add3A_102, %dot_general3A_119 : vector<784x512xf32>
    %slice3A_121 = vector.extract_strided_slice %get3A_1 {offsets = [7, 0], sizes = [777, 512], strides = [1, 1]} : vector<784x512xbf16> to vector<777x512xbf16>
    %slice3A_122 = vector.extract_strided_slice %get3A_1 {offsets = [0, 0], sizes = [7, 512], strides = [1, 1]} : vector<784x512xbf16> to vector<7x512xbf16>
    %concatenate3A_123 = tpu.concatenate %slice3A_121, %slice3A_122 in 0 : vector<777x512xbf16>, vector<7x512xbf16> -> vector<784x512xbf16>
    %get3A_124 = arith.constant 7 : index
    %get3A_125 = arith.constant 0 : index
    %get3A_126 = arith.constant 0 : index
    %get3A_127 = vector.load %arg3[%get3A_124, %get3A_125, %get3A_126] : memref<9x784x1xbf16, #tpu.memory_space<vmem>>, vector<1x784x1xbf16>
    %get3A_128 = vector.shape_cast %get3A_127 : vector<1x784x1xbf16> to vector<784x1xbf16>
    %mul3A_129 = vector.broadcast %get3A_128 : vector<784x1xbf16> to vector<784x512xbf16>
    %mul3A_130 = arith.mulf %concatenate3A_123, %mul3A_129 : vector<784x512xbf16>
    %get3A_131 = arith.constant 7 : index
    %get3A_132 = arith.constant 0 : index
    %get3A_133 = arith.constant 0 : index
    %get3A_134 = vector.load %arg2[%get3A_131, %get3A_132, %get3A_133] : memref<9x512x512xbf16, #tpu.memory_space<vmem>>, vector<1x512x512xbf16>
    %get3A_135 = vector.shape_cast %get3A_134 : vector<1x512x512xbf16> to vector<512x512xbf16>
    %dot_general3A_136 = arith.constant dense<0.000000e+00> : vector<784x512xf32>
    %dot_general3A_137 = tpu.matmul %mul3A_130, %get3A_135, %dot_general3A_136 {dimension_numbers = #tpu.dot_dimension_numbers<[1], [0], [0], [1], [0, 0, 1, 1], [], []>, transpose_lhs_hint = false} : vector<784x512xbf16>, vector<512x512xbf16>, vector<784x512xf32> -> vector<784x512xf32>
    %add3A_138 = arith.addf %add3A_120, %dot_general3A_137 : vector<784x512xf32>
    %slice3A_139 = vector.extract_strided_slice %get3A_1 {offsets = [8, 0], sizes = [776, 512], strides = [1, 1]} : vector<784x512xbf16> to vector<776x512xbf16>
    %slice3A_140 = vector.extract_strided_slice %get3A_1 {offsets = [0, 0], sizes = [8, 512], strides = [1, 1]} : vector<784x512xbf16> to vector<8x512xbf16>
    %concatenate3A_141 = tpu.concatenate %slice3A_139, %slice3A_140 in 0 : vector<776x512xbf16>, vector<8x512xbf16> -> vector<784x512xbf16>
    %get3A_142 = arith.constant 8 : index
    %get3A_143 = arith.constant 0 : index
    %get3A_144 = arith.constant 0 : index
    %get3A_145 = vector.load %arg3[%get3A_142, %get3A_143, %get3A_144] : memref<9x784x1xbf16, #tpu.memory_space<vmem>>, vector<1x784x1xbf16>
    %get3A_146 = vector.shape_cast %get3A_145 : vector<1x784x1xbf16> to vector<784x1xbf16>
    %mul3A_147 = vector.broadcast %get3A_146 : vector<784x1xbf16> to vector<784x512xbf16>
    %mul3A_148 = arith.mulf %concatenate3A_141, %mul3A_147 : vector<784x512xbf16>
    %get3A_149 = arith.constant 8 : index
    %get3A_150 = arith.constant 0 : index
    %get3A_151 = arith.constant 0 : index
    %get3A_152 = vector.load %arg2[%get3A_149, %get3A_150, %get3A_151] : memref<9x512x512xbf16, #tpu.memory_space<vmem>>, vector<1x512x512xbf16>
    %get3A_153 = vector.shape_cast %get3A_152 : vector<1x512x512xbf16> to vector<512x512xbf16>
    %dot_general3A_154 = arith.constant dense<0.000000e+00> : vector<784x512xf32>
    %dot_general3A_155 = tpu.matmul %mul3A_148, %get3A_153, %dot_general3A_154 {dimension_numbers = #tpu.dot_dimension_numbers<[1], [0], [0], [1], [0, 0, 1, 1], [], []>, transpose_lhs_hint = false} : vector<784x512xbf16>, vector<512x512xbf16>, vector<784x512xf32> -> vector<784x512xf32>
    %add3A_156 = arith.addf %add3A_138, %dot_general3A_155 : vector<784x512xf32>
    %swap3A = arith.constant 0 : index
    %swap3A_157 = arith.constant 0 : index
    %swap3A_158 = vector.load %arg4[%swap3A, %swap3A_157] : memref<784x512xf32, #tpu.memory_space<vmem>>, vector<784x512xf32>
    tpu.vector_store %arg4[%swap3A, %swap3A_157], %add3A_156 {strides = array<i32>} : memref<784x512xf32, #tpu.memory_space<vmem>>, vector<784x512xf32>,
    %reduce_sum3A = arith.constant dense<0.000000e+00> : vector<512xf32>
    %reduce_sum3A_159 = vector.multi_reduction <add>, %add3A_156, %reduce_sum3A [0] : vector<784x512xf32> to vector<512xf32>
    %reshape3A = vector.shape_cast %reduce_sum3A_159 : vector<512xf32> to vector<1x512xf32>
    %mul3A_160 = arith.mulf %add3A_156, %add3A_156 : vector<784x512xf32>
    %reduce_sum3A_161 = arith.constant dense<0.000000e+00> : vector<512xf32>
    %reduce_sum3A_162 = vector.multi_reduction <add>, %mul3A_160, %reduce_sum3A_161 [0] : vector<784x512xf32> to vector<512xf32>
    %reshape3A_163 = vector.shape_cast %reduce_sum3A_162 : vector<512xf32> to vector<1x512xf32>
    %broadcast_in_dim3A_164 = arith.constant 0.000000e+00 : f32
    %broadcast_in_dim3A_165 = vector.broadcast %broadcast_in_dim3A_164 : f32 to vector<6x512xf32>
    %concatenate3A_166 = tpu.concatenate %reshape3A, %reshape3A_163, %broadcast_in_dim3A_165 in 0 : vector<1x512xf32>, vector<1x512xf32>, vector<6x512xf32> -> vector<8x512xf32>
    %swap3A_167 = arith.constant 0 : index
    %swap3A_168 = arith.constant 0 : index
    %swap3A_169 = vector.load %arg5[%swap3A_167, %swap3A_168] : memref<8x512xf32, #tpu.memory_space<vmem>>, vector<8x512xf32>
    tpu.vector_store %arg5[%swap3A_167, %swap3A_168], %concatenate3A_166 {strides = array<i32>} : memref<8x512xf32, #tpu.memory_space<vmem>>, vector<8x512xf32>,
    return
  }
  func.func @transform_0(%arg0: i32) -> (i32, i32) {
    %c0_i32 = arith.constant 0 : i32
    %c0_i32_0 = arith.constant 0 : i32
    return %arg0, %c0_i32 : i32, i32
  }
  func.func @transform_1(%arg0: i32) -> (i32, i32, i32) {
    %c0_i32 = arith.constant 0 : i32
    %c0_i32_0 = arith.constant 0 : i32
    %c0_i32_1 = arith.constant 0 : i32
    %c0_i32_2 = arith.constant 0 : i32
    return %c0_i32, %c0_i32_0, %c0_i32_1 : i32, i32, i32
  }
  func.func @transform_2(%arg0: i32) -> (i32, i32, i32) {
    %c0_i32 = arith.constant 0 : i32
    %c0_i32_0 = arith.constant 0 : i32
    %c0_i32_1 = arith.constant 0 : i32
    %c0_i32_2 = arith.constant 0 : i32
    return %c0_i32, %c0_i32_0, %c0_i32_1 : i32, i32, i32
  }
  func.func @transform_3(%arg0: i32) -> (i32, i32) {
    %c0_i32 = arith.constant 0 : i32
    %c0_i32_0 = arith.constant 0 : i32
    return %arg0, %c0_i32 : i32, i32
  }
  func.func @transform_4(%arg0: i32) -> (i32, i32) {
    %c0_i32 = arith.constant 0 : i32
    %c0_i32_0 = arith.constant 0 : i32
    return %arg0, %c0_i32 : i32, i32
  }
}

module attributes {stable_mosaic.version = 14 : i64} {
  func.func @_norm_body(%arg0: i32, %arg1: memref<392x512xf32, #tpu.memory_space<vmem>>, %arg2: memref<1x512xf32, #tpu.memory_space<vmem>>, %arg3: memref<1x512xf32, #tpu.memory_space<vmem>>, %arg4: memref<392x512xf32, #tpu.memory_space<vmem>>, %arg5: memref<8x512xf32, #tpu.memory_space<vmem>>) attributes {dimension_semantics = [#tpu.dimension_semantics<parallel>], iteration_bounds = array<i64: 16>, scalar_prefetch = 0 : i64, scratch_operands = 0 : i64, tpu.core_type = #tpu.core_type<tc>, window_params = [{transform_indices = @transform_0, window_bounds = array<i64: 392, 512>}, {pipeline_mode = #tpu.pipeline_mode<synchronous>, transform_indices = @transform_1, window_bounds = array<i64: 1, 512>}, {pipeline_mode = #tpu.pipeline_mode<synchronous>, transform_indices = @transform_2, window_bounds = array<i64: 1, 512>}, {transform_indices = @transform_3, window_bounds = array<i64: 392, 512>}, {transform_indices = @transform_4, window_bounds = array<i64: 8, 512>}]} {
    %get3A = arith.constant 0 : index
    %get3A_0 = arith.constant 0 : index
    %get3A_1 = vector.load %arg1[%get3A, %get3A_0] : memref<392x512xf32, #tpu.memory_space<vmem>>, vector<392x512xf32>
    %get3A_2 = arith.constant 0 : index
    %get3A_3 = arith.constant 0 : index
    %get3A_4 = vector.load %arg2[%get3A_2, %get3A_3] : memref<1x512xf32, #tpu.memory_space<vmem>>, vector<1x512xf32>
    %mul3A = vector.broadcast %get3A_4 : vector<1x512xf32> to vector<392x512xf32>
    %mul3A_5 = arith.mulf %get3A_1, %mul3A : vector<392x512xf32>
    %get3A_6 = arith.constant 0 : index
    %get3A_7 = arith.constant 0 : index
    %get3A_8 = vector.load %arg3[%get3A_6, %get3A_7] : memref<1x512xf32, #tpu.memory_space<vmem>>, vector<1x512xf32>
    %add3A = vector.broadcast %get3A_8 : vector<1x512xf32> to vector<392x512xf32>
    %add3A_9 = arith.addf %mul3A_5, %add3A : vector<392x512xf32>
    %max3A = arith.constant 0.000000e+00 : f32
    %max3A_10 = vector.broadcast %max3A : f32 to vector<392x512xf32>
    %max3A_11 = arith.maximumf %add3A_9, %max3A_10 : vector<392x512xf32>
    %swap3A = arith.constant 0 : index
    %swap3A_12 = arith.constant 0 : index
    %swap3A_13 = vector.load %arg4[%swap3A, %swap3A_12] : memref<392x512xf32, #tpu.memory_space<vmem>>, vector<392x512xf32>
    tpu.vector_store %arg4[%swap3A, %swap3A_12], %max3A_11 {strides = array<i32>} : memref<392x512xf32, #tpu.memory_space<vmem>>, vector<392x512xf32>,
    %reshape3A = vector.shape_cast %max3A_11 : vector<392x512xf32> to vector<8x49x512xf32>
    %reduce_max3A = arith.constant dense<0xFF800000> : vector<8x512xf32>
    %reduce_max3A_14 = vector.multi_reduction <maximumf>, %reshape3A, %reduce_max3A [1] : vector<8x49x512xf32> to vector<8x512xf32>
    %swap3A_15 = arith.constant 0 : index
    %swap3A_16 = arith.constant 0 : index
    %swap3A_17 = vector.load %arg5[%swap3A_15, %swap3A_16] : memref<8x512xf32, #tpu.memory_space<vmem>>, vector<8x512xf32>
    tpu.vector_store %arg5[%swap3A_15, %swap3A_16], %reduce_max3A_14 {strides = array<i32>} : memref<8x512xf32, #tpu.memory_space<vmem>>, vector<8x512xf32>,
    return
  }
  func.func @transform_0(%arg0: i32) -> (i32, i32) {
    %c0_i32 = arith.constant 0 : i32
    %c0_i32_0 = arith.constant 0 : i32
    return %arg0, %c0_i32 : i32, i32
  }
  func.func @transform_1(%arg0: i32) -> (i32, i32) {
    %c0_i32 = arith.constant 0 : i32
    %c0_i32_0 = arith.constant 0 : i32
    %c0_i32_1 = arith.constant 0 : i32
    return %c0_i32, %c0_i32_0 : i32, i32
  }
  func.func @transform_2(%arg0: i32) -> (i32, i32) {
    %c0_i32 = arith.constant 0 : i32
    %c0_i32_0 = arith.constant 0 : i32
    %c0_i32_1 = arith.constant 0 : i32
    return %c0_i32, %c0_i32_0 : i32, i32
  }
  func.func @transform_3(%arg0: i32) -> (i32, i32) {
    %c0_i32 = arith.constant 0 : i32
    %c0_i32_0 = arith.constant 0 : i32
    return %arg0, %c0_i32 : i32, i32
  }
  func.func @transform_4(%arg0: i32) -> (i32, i32) {
    %c0_i32 = arith.constant 0 : i32
    %c0_i32_0 = arith.constant 0 : i32
    return %arg0, %c0_i32 : i32, i32
  }
}

module attributes {stable_mosaic.version = 14 : i64} {
  func.func @_audio_mel_body(%arg0: i32, %arg1: memref<4x500x64xf32, #tpu.memory_space<vmem>>, %arg2: memref<64x1024xbf16, #tpu.memory_space<vmem>>, %arg3: memref<1x1024xf32, #tpu.memory_space<vmem>>, %arg4: memref<4x250x512xf32, #tpu.memory_space<vmem>>) attributes {dimension_semantics = [#tpu.dimension_semantics<parallel>], iteration_bounds = array<i64: 4>, scalar_prefetch = 0 : i64, scratch_operands = 0 : i64, tpu.core_type = #tpu.core_type<tc>, window_params = [{transform_indices = @transform_0, window_bounds = array<i64: 4, 500, 64>}, {pipeline_mode = #tpu.pipeline_mode<synchronous>, transform_indices = @transform_1, window_bounds = array<i64: 64, 1024>}, {pipeline_mode = #tpu.pipeline_mode<synchronous>, transform_indices = @transform_2, window_bounds = array<i64: 1, 1024>}, {transform_indices = @transform_3, window_bounds = array<i64: 4, 250, 512>}]} {
    %get3A = arith.constant 0 : index
    %get3A_0 = arith.constant 0 : index
    %get3A_1 = arith.constant 0 : index
    %get3A_2 = vector.load %arg1[%get3A, %get3A_0, %get3A_1] : memref<4x500x64xf32, #tpu.memory_space<vmem>>, vector<4x500x64xf32>
    %reshape3A = vector.shape_cast %get3A_2 : vector<4x500x64xf32> to vector<2000x64xf32>
    %get3A_3 = arith.constant 0 : index
    %get3A_4 = arith.constant 0 : index
    %get3A_5 = vector.load %arg2[%get3A_3, %get3A_4] : memref<64x1024xbf16, #tpu.memory_space<vmem>>, vector<64x1024xbf16>
    %convert_element_type3A = arith.truncf %reshape3A : vector<2000x64xf32> to vector<2000x64xbf16>
    %dot_general3A = arith.constant dense<0.000000e+00> : vector<2000x1024xf32>
    %dot_general3A_6 = tpu.matmul %convert_element_type3A, %get3A_5, %dot_general3A {dimension_numbers = #tpu.dot_dimension_numbers<[1], [0], [0], [1], [0, 0, 1, 1], [], []>, transpose_lhs_hint = false} : vector<2000x64xbf16>, vector<64x1024xbf16>, vector<2000x1024xf32> -> vector<2000x1024xf32>
    %get3A_7 = arith.constant 0 : index
    %get3A_8 = arith.constant 0 : index
    %get3A_9 = vector.load %arg3[%get3A_7, %get3A_8] : memref<1x1024xf32, #tpu.memory_space<vmem>>, vector<1x1024xf32>
    %add3A = vector.broadcast %get3A_9 : vector<1x1024xf32> to vector<2000x1024xf32>
    %add3A_10 = arith.addf %dot_general3A_6, %add3A : vector<2000x1024xf32>
    %reshape3A_11 = vector.shape_cast %add3A_10 : vector<2000x1024xf32> to vector<4x125x4x1024xf32>
    %reduce_sum3A = arith.constant dense<0.000000e+00> : vector<4x125x1024xf32>
    %reduce_sum3A_12 = vector.multi_reduction <add>, %reshape3A_11, %reduce_sum3A [2] : vector<4x125x4x1024xf32> to vector<4x125x1024xf32>
    %div3A = arith.constant 4.000000e+00 : f32
    %div3A_13 = vector.broadcast %div3A : f32 to vector<4x125x1024xf32>
    %div3A_14 = arith.divf %reduce_sum3A_12, %div3A_13 : vector<4x125x1024xf32>
    %reshape3A_15 = vector.shape_cast %div3A_14 : vector<4x125x1024xf32> to vector<4x250x512xf32>
    %swap3A = arith.constant 0 : index
    %swap3A_16 = arith.constant 0 : index
    %swap3A_17 = arith.constant 0 : index
    %swap3A_18 = vector.load %arg4[%swap3A, %swap3A_16, %swap3A_17] : memref<4x250x512xf32, #tpu.memory_space<vmem>>, vector<4x250x512xf32>
    tpu.vector_store %arg4[%swap3A, %swap3A_16, %swap3A_17], %reshape3A_15 {strides = array<i32>} : memref<4x250x512xf32, #tpu.memory_space<vmem>>, vector<4x250x512xf32>,
    return
  }
  func.func @transform_0(%arg0: i32) -> (i32, i32, i32) {
    %c0_i32 = arith.constant 0 : i32
    %c0_i32_0 = arith.constant 0 : i32
    %c0_i32_1 = arith.constant 0 : i32
    return %arg0, %c0_i32, %c0_i32_0 : i32, i32, i32
  }
  func.func @transform_1(%arg0: i32) -> (i32, i32) {
    %c0_i32 = arith.constant 0 : i32
    %c0_i32_0 = arith.constant 0 : i32
    %c0_i32_1 = arith.constant 0 : i32
    return %c0_i32, %c0_i32_0 : i32, i32
  }
  func.func @transform_2(%arg0: i32) -> (i32, i32) {
    %c0_i32 = arith.constant 0 : i32
    %c0_i32_0 = arith.constant 0 : i32
    %c0_i32_1 = arith.constant 0 : i32
    return %c0_i32, %c0_i32_0 : i32, i32
  }
  func.func @transform_3(%arg0: i32) -> (i32, i32, i32) {
    %c0_i32 = arith.constant 0 : i32
    %c0_i32_0 = arith.constant 0 : i32
    %c0_i32_1 = arith.constant 0 : i32
    return %arg0, %c0_i32, %c0_i32_0 : i32, i32, i32
  }
}

module attributes {stable_mosaic.version = 14 : i64} {
  func.func @_audio_tc_body(%arg0: memref<4000x512xf32, #tpu.memory_space<vmem>>, %arg1: memref<3x512x512xbf16, #tpu.memory_space<vmem>>, %arg2: memref<1x512xf32, #tpu.memory_space<vmem>>, %arg3: memref<1x512xf32, #tpu.memory_space<vmem>>, %arg4: memref<512x512xbf16, #tpu.memory_space<vmem>>, %arg5: memref<512x512xbf16, #tpu.memory_space<vmem>>, %arg6: memref<1x512xf32, #tpu.memory_space<vmem>>, %arg7: memref<1x512xf32, #tpu.memory_space<vmem>>, %arg8: memref<3x512x512xbf16, #tpu.memory_space<vmem>>, %arg9: memref<1x512xf32, #tpu.memory_space<vmem>>, %arg10: memref<1x512xf32, #tpu.memory_space<vmem>>, %arg11: memref<512x15xf32, #tpu.memory_space<vmem>>, %arg12: memref<1x15xf32, #tpu.memory_space<vmem>>, %arg13: memref<496x512xf32, #tpu.memory_space<vmem>>, %arg14: memref<16x512xf32, #tpu.memory_space<vmem>>, %arg15: memref<16x15xf32, #tpu.memory_space<vmem>>) attributes {dimension_semantics = [], scalar_prefetch = 0 : i64, scratch_operands = 0 : i64, tpu.core_type = #tpu.core_type<tc>} {
    %get3A = arith.constant 0 : index
    %get3A_0 = arith.constant 0 : index
    %get3A_1 = vector.load %arg0[%get3A, %get3A_0] : memref<4000x512xf32, #tpu.memory_space<vmem>>, vector<4000x512xf32>
    %reshape3A = vector.shape_cast %get3A_1 : vector<4000x512xf32> to vector<16x250x512xf32>
    %reduce_sum3A = arith.constant dense<0.000000e+00> : vector<16x512xf32>
    %reduce_sum3A_2 = vector.multi_reduction <add>, %reshape3A, %reduce_sum3A [1] : vector<16x250x512xf32> to vector<16x512xf32>
    %div3A = arith.constant 2.500000e+02 : f32
    %div3A_3 = vector.broadcast %div3A : f32 to vector<16x512xf32>
    %div3A_4 = arith.divf %reduce_sum3A_2, %div3A_3 : vector<16x512xf32>
    %get3A_5 = arith.constant 0 : index
    %get3A_6 = arith.constant 0 : index
    %get3A_7 = vector.load %arg11[%get3A_5, %get3A_6] : memref<512x15xf32, #tpu.memory_space<vmem>>, vector<512x15xf32>
    %convert_element_type3A = arith.truncf %div3A_4 : vector<16x512xf32> to vector<16x512xbf16>
    %convert_element_type3A_8 = arith.truncf %get3A_7 : vector<512x15xf32> to vector<512x15xbf16>
    %dot_general3A = arith.constant dense<0.000000e+00> : vector<16x15xf32>
    %dot_general3A_9 = tpu.matmul %convert_element_type3A, %convert_element_type3A_8, %dot_general3A {dimension_numbers = #tpu.dot_dimension_numbers<[1], [0], [0], [1], [0, 0, 1, 1], [], []>, transpose_lhs_hint = false} : vector<16x512xbf16>, vector<512x15xbf16>, vector<16x15xf32> -> vector<16x15xf32>
    %get3A_10 = arith.constant 0 : index
    %get3A_11 = arith.constant 0 : index
    %get3A_12 = vector.load %arg12[%get3A_10, %get3A_11] : memref<1x15xf32, #tpu.memory_space<vmem>>, vector<1x15xf32>
    %add3A = vector.broadcast %get3A_12 : vector<1x15xf32> to vector<16x15xf32>
    %add3A_13 = arith.addf %dot_general3A_9, %add3A : vector<16x15xf32>
    %swap3A = arith.constant 0 : index
    %swap3A_14 = arith.constant 0 : index
    %swap3A_15 = vector.load %arg15[%swap3A, %swap3A_14] : memref<16x15xf32, #tpu.memory_space<vmem>>, vector<16x15xf32>
    tpu.vector_store %arg15[%swap3A, %swap3A_14], %add3A_13 {strides = array<i32>} : memref<16x15xf32, #tpu.memory_space<vmem>>, vector<16x15xf32>,
    %iota3A = tpu.iota {dimensions = array<i32: 0>} : vector<4000x1xi32>
    %jit3A = arith.constant 250 : i32
    %eq3A = arith.constant 0 : i32
    %eq3A_16 = arith.cmpi eq, %jit3A, %eq3A : i32
    %jit3A_17 = arith.constant 1 : i32
    %select_n3A = arith.select %eq3A_16, %jit3A_17, %jit3A : i32
    %rem3A = vector.broadcast %select_n3A : i32 to vector<4000x1xi32>
    %rem3A_18 = arith.remsi %iota3A, %rem3A : vector<4000x1xi32>
    %ne3A = arith.constant 0 : i32
    %ne3A_19 = vector.broadcast %ne3A : i32 to vector<4000x1xi32>
    %ne3A_20 = arith.cmpi ne, %rem3A_18, %ne3A_19 : vector<4000x1xi32>
    %lt3A = arith.constant 0 : i32
    %lt3A_21 = vector.broadcast %lt3A : i32 to vector<4000x1xi32>
    %lt3A_22 = arith.cmpi slt, %rem3A_18, %lt3A_21 : vector<4000x1xi32>
    %lt3A_23 = arith.constant 0 : i32
    %lt3A_24 = arith.cmpi slt, %select_n3A, %lt3A_23 : i32
    %ne3A_25 = vector.broadcast %lt3A_24 : i1 to vector<4000x1xi1>
    %ne3A_26 = vector.broadcast %ne3A_25 : vector<4000x1xi1> to vector<4000x1xi1>
    %ne3A_27 = arith.xori %lt3A_22, %ne3A_26 : vector<4000x1xi1>
    %and3A = arith.andi %ne3A_27, %ne3A_20 : vector<4000x1xi1>
    %add3A_28 = vector.broadcast %select_n3A : i32 to vector<4000x1xi32>
    %add3A_29 = arith.addi %rem3A_18, %add3A_28 : vector<4000x1xi32>
    %select_n3A_30 = arith.select %and3A, %add3A_29, %rem3A_18 : vector<4000x1xi1>, vector<4000x1xi32>
    %jit3A_31 = arith.constant 2 : i32
    %div3A_32 = vector.broadcast %jit3A_31 : i32 to vector<4000x1xi32>
    %div3A_33 = arith.divsi %select_n3A_30, %div3A_32 : vector<4000x1xi32>
    %sign3A = arith.constant 0 : i32
    %sign3A_34 = vector.broadcast %sign3A : i32 to vector<4000x1xi32>
    %sign3A_35 = arith.cmpi sgt, %select_n3A_30, %sign3A_34 : vector<4000x1xi32>
    %sign3A_36 = arith.extui %sign3A_35 : vector<4000x1xi1> to vector<4000x1xi32>
    %sign3A_37 = arith.constant 0 : i32
    %sign3A_38 = vector.broadcast %sign3A_37 : i32 to vector<4000x1xi32>
    %sign3A_39 = arith.cmpi slt, %select_n3A_30, %sign3A_38 : vector<4000x1xi32>
    %sign3A_40 = arith.extui %sign3A_39 : vector<4000x1xi1> to vector<4000x1xi32>
    %sign3A_41 = arith.subi %sign3A_36, %sign3A_40 : vector<4000x1xi32>
    %sign3A_42 = arith.constant 0 : i32
    %sign3A_43 = arith.cmpi sgt, %jit3A_31, %sign3A_42 : i32
    %sign3A_44 = arith.extui %sign3A_43 : i1 to i32
    %sign3A_45 = arith.constant 0 : i32
    %sign3A_46 = arith.cmpi slt, %jit3A_31, %sign3A_45 : i32
    %sign3A_47 = arith.extui %sign3A_46 : i1 to i32
    %sign3A_48 = arith.subi %sign3A_44, %sign3A_47 : i32
    %ne3A_49 = vector.broadcast %sign3A_48 : i32 to vector<4000x1xi32>
    %ne3A_50 = arith.cmpi ne, %sign3A_41, %ne3A_49 : vector<4000x1xi32>
    %rem3A_51 = vector.broadcast %jit3A_31 : i32 to vector<4000x1xi32>
    %rem3A_52 = arith.remsi %select_n3A_30, %rem3A_51 : vector<4000x1xi32>
    %ne3A_53 = arith.constant 0 : i32
    %ne3A_54 = vector.broadcast %ne3A_53 : i32 to vector<4000x1xi32>
    %ne3A_55 = arith.cmpi ne, %rem3A_52, %ne3A_54 : vector<4000x1xi32>
    %and3A_56 = arith.andi %ne3A_50, %ne3A_55 : vector<4000x1xi1>
    %sub3A = arith.constant 1 : i32
    %sub3A_57 = vector.broadcast %sub3A : i32 to vector<4000x1xi32>
    %sub3A_58 = arith.subi %div3A_33, %sub3A_57 : vector<4000x1xi32>
    %select_n3A_59 = arith.select %and3A_56, %sub3A_58, %div3A_33 : vector<4000x1xi1>, vector<4000x1xi32>
    %broadcast_in_dim3A = arith.constant 0.000000e+00 : f32
    %broadcast_in_dim3A_60 = vector.broadcast %broadcast_in_dim3A : f32 to vector<4000x512xf32>
    %add3A_61 = arith.constant -2 : i32
    %add3A_62 = vector.broadcast %add3A_61 : i32 to vector<4000x1xi32>
    %add3A_63 = arith.addi %select_n3A_59, %add3A_62 : vector<4000x1xi32>
    %ge3A = arith.constant 0 : i32
    %ge3A_64 = vector.broadcast %ge3A : i32 to vector<4000x1xi32>
    %ge3A_65 = arith.cmpi sge, %add3A_63, %ge3A_64 : vector<4000x1xi32>
    %add3A_66 = arith.constant -2 : i32
    %add3A_67 = vector.broadcast %add3A_66 : i32 to vector<4000x1xi32>
    %add3A_68 = arith.addi %select_n3A_59, %add3A_67 : vector<4000x1xi32>
    %le3A = arith.constant 124 : i32
    %le3A_69 = vector.broadcast %le3A : i32 to vector<4000x1xi32>
    %le3A_70 = arith.cmpi sle, %add3A_68, %le3A_69 : vector<4000x1xi32>
    %and3A_71 = arith.andi %ge3A_65, %le3A_70 : vector<4000x1xi1>
    %convert_element_type3A_72 = arith.extui %and3A_71 : vector<4000x1xi1> to vector<4000x1xi32>
    %convert_element_type3A_73 = arith.sitofp %convert_element_type3A_72 : vector<4000x1xi32> to vector<4000x1xf32>
    %slice3A = vector.extract_strided_slice %get3A_1 {offsets = [3996, 0], sizes = [4, 512], strides = [1, 1]} : vector<4000x512xf32> to vector<4x512xf32>
    %slice3A_74 = vector.extract_strided_slice %get3A_1 {offsets = [0, 0], sizes = [3996, 512], strides = [1, 1]} : vector<4000x512xf32> to vector<3996x512xf32>
    %concatenate3A = tpu.concatenate %slice3A, %slice3A_74 in 0 : vector<4x512xf32>, vector<3996x512xf32> -> vector<4000x512xf32>
    %mul3A = vector.broadcast %convert_element_type3A_73 : vector<4000x1xf32> to vector<4000x512xf32>
    %mul3A_75 = arith.mulf %concatenate3A, %mul3A : vector<4000x512xf32>
    %get3A_76 = arith.constant 0 : index
    %get3A_77 = arith.constant 0 : index
    %get3A_78 = arith.constant 0 : index
    %get3A_79 = vector.load %arg1[%get3A_76, %get3A_77, %get3A_78] : memref<3x512x512xbf16, #tpu.memory_space<vmem>>, vector<1x512x512xbf16>
    %get3A_80 = vector.shape_cast %get3A_79 : vector<1x512x512xbf16> to vector<512x512xbf16>
    %convert_element_type3A_81 = arith.truncf %mul3A_75 : vector<4000x512xf32> to vector<4000x512xbf16>
    %dot_general3A_82 = arith.constant dense<0.000000e+00> : vector<4000x512xf32>
    %dot_general3A_83 = tpu.matmul %convert_element_type3A_81, %get3A_80, %dot_general3A_82 {dimension_numbers = #tpu.dot_dimension_numbers<[1], [0], [0], [1], [0, 0, 1, 1], [], []>, transpose_lhs_hint = false} : vector<4000x512xbf16>, vector<512x512xbf16>, vector<4000x512xf32> -> vector<4000x512xf32>
    %add3A_84 = arith.addf %broadcast_in_dim3A_60, %dot_general3A_83 : vector<4000x512xf32>
    %add3A_85 = arith.constant 0 : i32
    %add3A_86 = vector.broadcast %add3A_85 : i32 to vector<4000x1xi32>
    %add3A_87 = arith.addi %select_n3A_59, %add3A_86 : vector<4000x1xi32>
    %ge3A_88 = arith.constant 0 : i32
    %ge3A_89 = vector.broadcast %ge3A_88 : i32 to vector<4000x1xi32>
    %ge3A_90 = arith.cmpi sge, %add3A_87, %ge3A_89 : vector<4000x1xi32>
    %add3A_91 = arith.constant 0 : i32
    %add3A_92 = vector.broadcast %add3A_91 : i32 to vector<4000x1xi32>
    %add3A_93 = arith.addi %select_n3A_59, %add3A_92 : vector<4000x1xi32>
    %le3A_94 = arith.constant 124 : i32
    %le3A_95 = vector.broadcast %le3A_94 : i32 to vector<4000x1xi32>
    %le3A_96 = arith.cmpi sle, %add3A_93, %le3A_95 : vector<4000x1xi32>
    %and3A_97 = arith.andi %ge3A_90, %le3A_96 : vector<4000x1xi1>
    %convert_element_type3A_98 = arith.extui %and3A_97 : vector<4000x1xi1> to vector<4000x1xi32>
    %convert_element_type3A_99 = arith.sitofp %convert_element_type3A_98 : vector<4000x1xi32> to vector<4000x1xf32>
    %mul3A_100 = vector.broadcast %convert_element_type3A_99 : vector<4000x1xf32> to vector<4000x512xf32>
    %mul3A_101 = arith.mulf %get3A_1, %mul3A_100 : vector<4000x512xf32>
    %get3A_102 = arith.constant 1 : index
    %get3A_103 = arith.constant 0 : index
    %get3A_104 = arith.constant 0 : index
    %get3A_105 = vector.load %arg1[%get3A_102, %get3A_103, %get3A_104] : memref<3x512x512xbf16, #tpu.memory_space<vmem>>, vector<1x512x512xbf16>
    %get3A_106 = vector.shape_cast %get3A_105 : vector<1x512x512xbf16> to vector<512x512xbf16>
    %convert_element_type3A_107 = arith.truncf %mul3A_101 : vector<4000x512xf32> to vector<4000x512xbf16>
    %dot_general3A_108 = arith.constant dense<0.000000e+00> : vector<4000x512xf32>
    %dot_general3A_109 = tpu.matmul %convert_element_type3A_107, %get3A_106, %dot_general3A_108 {dimension_numbers = #tpu.dot_dimension_numbers<[1], [0], [0], [1], [0, 0, 1, 1], [], []>, transpose_lhs_hint = false} : vector<4000x512xbf16>, vector<512x512xbf16>, vector<4000x512xf32> -> vector<4000x512xf32>
    %add3A_110 = arith.addf %add3A_84, %dot_general3A_109 : vector<4000x512xf32>
    %add3A_111 = arith.constant 2 : i32
    %add3A_112 = vector.broadcast %add3A_111 : i32 to vector<4000x1xi32>
    %add3A_113 = arith.addi %select_n3A_59, %add3A_112 : vector<4000x1xi32>
    %ge3A_114 = arith.constant 0 : i32
    %ge3A_115 = vector.broadcast %ge3A_114 : i32 to vector<4000x1xi32>
    %ge3A_116 = arith.cmpi sge, %add3A_113, %ge3A_115 : vector<4000x1xi32>
    %add3A_117 = arith.constant 2 : i32
    %add3A_118 = vector.broadcast %add3A_117 : i32 to vector<4000x1xi32>
    %add3A_119 = arith.addi %select_n3A_59, %add3A_118 : vector<4000x1xi32>
    %le3A_120 = arith.constant 124 : i32
    %le3A_121 = vector.broadcast %le3A_120 : i32 to vector<4000x1xi32>
    %le3A_122 = arith.cmpi sle, %add3A_119, %le3A_121 : vector<4000x1xi32>
    %and3A_123 = arith.andi %ge3A_116, %le3A_122 : vector<4000x1xi1>
    %convert_element_type3A_124 = arith.extui %and3A_123 : vector<4000x1xi1> to vector<4000x1xi32>
    %convert_element_type3A_125 = arith.sitofp %convert_element_type3A_124 : vector<4000x1xi32> to vector<4000x1xf32>
    %slice3A_126 = vector.extract_strided_slice %get3A_1 {offsets = [4, 0], sizes = [3996, 512], strides = [1, 1]} : vector<4000x512xf32> to vector<3996x512xf32>
    %slice3A_127 = vector.extract_strided_slice %get3A_1 {offsets = [0, 0], sizes = [4, 512], strides = [1, 1]} : vector<4000x512xf32> to vector<4x512xf32>
    %concatenate3A_128 = tpu.concatenate %slice3A_126, %slice3A_127 in 0 : vector<3996x512xf32>, vector<4x512xf32> -> vector<4000x512xf32>
    %mul3A_129 = vector.broadcast %convert_element_type3A_125 : vector<4000x1xf32> to vector<4000x512xf32>
    %mul3A_130 = arith.mulf %concatenate3A_128, %mul3A_129 : vector<4000x512xf32>
    %get3A_131 = arith.constant 2 : index
    %get3A_132 = arith.constant 0 : index
    %get3A_133 = arith.constant 0 : index
    %get3A_134 = vector.load %arg1[%get3A_131, %get3A_132, %get3A_133] : memref<3x512x512xbf16, #tpu.memory_space<vmem>>, vector<1x512x512xbf16>
    %get3A_135 = vector.shape_cast %get3A_134 : vector<1x512x512xbf16> to vector<512x512xbf16>
    %convert_element_type3A_136 = arith.truncf %mul3A_130 : vector<4000x512xf32> to vector<4000x512xbf16>
    %dot_general3A_137 = arith.constant dense<0.000000e+00> : vector<4000x512xf32>
    %dot_general3A_138 = tpu.matmul %convert_element_type3A_136, %get3A_135, %dot_general3A_137 {dimension_numbers = #tpu.dot_dimension_numbers<[1], [0], [0], [1], [0, 0, 1, 1], [], []>, transpose_lhs_hint = false} : vector<4000x512xbf16>, vector<512x512xbf16>, vector<4000x512xf32> -> vector<4000x512xf32>
    %add3A_139 = arith.addf %add3A_110, %dot_general3A_138 : vector<4000x512xf32>
    %get3A_140 = arith.constant 0 : index
    %get3A_141 = arith.constant 0 : index
    %get3A_142 = vector.load %arg2[%get3A_140, %get3A_141] : memref<1x512xf32, #tpu.memory_space<vmem>>, vector<1x512xf32>
    %get3A_143 = arith.constant 0 : index
    %get3A_144 = arith.constant 0 : index
    %get3A_145 = vector.load %arg3[%get3A_143, %get3A_144] : memref<1x512xf32, #tpu.memory_space<vmem>>, vector<1x512xf32>
    %reduce_sum3A_146 = arith.constant dense<0.000000e+00> : vector<512xf32>
    %reduce_sum3A_147 = vector.multi_reduction <add>, %add3A_139, %reduce_sum3A_146 [0] : vector<4000x512xf32> to vector<512xf32>
    %broadcast_in_dim3A_148 = vector.shape_cast %reduce_sum3A_147 : vector<512xf32> to vector<1x512xf32>
    %div3A_149 = arith.constant 4.000000e+03 : f32
    %div3A_150 = vector.broadcast %div3A_149 : f32 to vector<1x512xf32>
    %div3A_151 = arith.divf %broadcast_in_dim3A_148, %div3A_150 : vector<1x512xf32>
    %sub3A_152 = vector.broadcast %div3A_151 : vector<1x512xf32> to vector<4000x512xf32>
    %sub3A_153 = arith.subf %add3A_139, %sub3A_152 : vector<4000x512xf32>
    %integer_pow3A = arith.mulf %sub3A_153, %sub3A_153 : vector<4000x512xf32>
    %reduce_sum3A_154 = arith.constant dense<0.000000e+00> : vector<512xf32>
    %reduce_sum3A_155 = vector.multi_reduction <add>, %integer_pow3A, %reduce_sum3A_154 [0] : vector<4000x512xf32> to vector<512xf32>
    %broadcast_in_dim3A_156 = vector.shape_cast %reduce_sum3A_155 : vector<512xf32> to vector<1x512xf32>
    %div3A_157 = arith.constant 4.000000e+03 : f32
    %div3A_158 = vector.broadcast %div3A_157 : f32 to vector<1x512xf32>
    %div3A_159 = arith.divf %broadcast_in_dim3A_156, %div3A_158 : vector<1x512xf32>
    %sub3A_160 = vector.broadcast %div3A_151 : vector<1x512xf32> to vector<4000x512xf32>
    %sub3A_161 = arith.subf %add3A_139, %sub3A_160 : vector<4000x512xf32>
    %add3A_162 = arith.constant 9.99999974E-6 : f32
    %add3A_163 = vector.broadcast %add3A_162 : f32 to vector<1x512xf32>
    %add3A_164 = arith.addf %div3A_159, %add3A_163 : vector<1x512xf32>
    %rsqrt3A = math.rsqrt %add3A_164 : vector<1x512xf32>
    %mul3A_165 = vector.broadcast %rsqrt3A : vector<1x512xf32> to vector<4000x512xf32>
    %mul3A_166 = arith.mulf %sub3A_161, %mul3A_165 : vector<4000x512xf32>
    %mul3A_167 = vector.broadcast %get3A_142 : vector<1x512xf32> to vector<4000x512xf32>
    %mul3A_168 = arith.mulf %mul3A_166, %mul3A_167 : vector<4000x512xf32>
    %add3A_169 = vector.broadcast %get3A_145 : vector<1x512xf32> to vector<4000x512xf32>
    %add3A_170 = arith.addf %mul3A_168, %add3A_169 : vector<4000x512xf32>
    %reshape3A_171 = vector.shape_cast %add3A_170 : vector<4000x512xf32> to vector<16x125x2x512xf32>
    %slice3A_172 = vector.extract_strided_slice %reshape3A_171 {offsets = [0, 0, 0, 0], sizes = [16, 124, 2, 512], strides = [1, 1, 1, 1]} : vector<16x125x2x512xf32> to vector<16x124x2x512xf32>
    %reshape3A_173 = vector.shape_cast %slice3A_172 : vector<16x124x2x512xf32> to vector<16x62x2x2x512xf32>
    %slice3A_174 = vector.extract_strided_slice %reshape3A_173 {offsets = [0, 0, 0, 0, 0], sizes = [16, 62, 1, 2, 512], strides = [1, 1, 1, 1, 1]} : vector<16x62x2x2x512xf32> to vector<16x62x1x2x512xf32>
    %squeeze3A = vector.shape_cast %slice3A_174 : vector<16x62x1x2x512xf32> to vector<16x62x2x512xf32>
    %slice3A_175 = vector.extract_strided_slice %reshape3A_173 {offsets = [0, 0, 1, 0, 0], sizes = [16, 62, 1, 2, 512], strides = [1, 1, 1, 1, 1]} : vector<16x62x2x2x512xf32> to vector<16x62x1x2x512xf32>
    %squeeze3A_176 = vector.shape_cast %slice3A_175 : vector<16x62x1x2x512xf32> to vector<16x62x2x512xf32>
    %max3A = arith.maximumf %squeeze3A, %squeeze3A_176 : vector<16x62x2x512xf32>
    %max3A_177 = arith.constant 0.000000e+00 : f32
    %max3A_178 = vector.broadcast %max3A_177 : f32 to vector<16x62x2x512xf32>
    %max3A_179 = arith.maximumf %max3A, %max3A_178 : vector<16x62x2x512xf32>
    %slice3A_180 = vector.extract_strided_slice %max3A_179 {offsets = [0, 0, 0, 0], sizes = [16, 62, 1, 512], strides = [1, 1, 1, 1]} : vector<16x62x2x512xf32> to vector<16x62x1x512xf32>
    %squeeze3A_181 = vector.shape_cast %slice3A_180 : vector<16x62x1x512xf32> to vector<16x62x512xf32>
    %reshape3A_182 = vector.shape_cast %squeeze3A_181 : vector<16x62x512xf32> to vector<992x512xf32>
    %slice3A_183 = vector.extract_strided_slice %max3A_179 {offsets = [0, 0, 1, 0], sizes = [16, 62, 1, 512], strides = [1, 1, 1, 1]} : vector<16x62x2x512xf32> to vector<16x62x1x512xf32>
    %squeeze3A_184 = vector.shape_cast %slice3A_183 : vector<16x62x1x512xf32> to vector<16x62x512xf32>
    %reshape3A_185 = vector.shape_cast %squeeze3A_184 : vector<16x62x512xf32> to vector<992x512xf32>
    %get3A_186 = arith.constant 0 : index
    %get3A_187 = arith.constant 0 : index
    %get3A_188 = vector.load %arg4[%get3A_186, %get3A_187] : memref<512x512xbf16, #tpu.memory_space<vmem>>, vector<512x512xbf16>
    %convert_element_type3A_189 = arith.truncf %reshape3A_182 : vector<992x512xf32> to vector<992x512xbf16>
    %dot_general3A_190 = arith.constant dense<0.000000e+00> : vector<992x512xf32>
    %dot_general3A_191 = tpu.matmul %convert_element_type3A_189, %get3A_188, %dot_general3A_190 {dimension_numbers = #tpu.dot_dimension_numbers<[1], [0], [0], [1], [0, 0, 1, 1], [], []>, transpose_lhs_hint = false} : vector<992x512xbf16>, vector<512x512xbf16>, vector<992x512xf32> -> vector<992x512xf32>
    %get3A_192 = arith.constant 0 : index
    %get3A_193 = arith.constant 0 : index
    %get3A_194 = vector.load %arg5[%get3A_192, %get3A_193] : memref<512x512xbf16, #tpu.memory_space<vmem>>, vector<512x512xbf16>
    %convert_element_type3A_195 = arith.truncf %reshape3A_185 : vector<992x512xf32> to vector<992x512xbf16>
    %dot_general3A_196 = arith.constant dense<0.000000e+00> : vector<992x512xf32>
    %dot_general3A_197 = tpu.matmul %convert_element_type3A_195, %get3A_194, %dot_general3A_196 {dimension_numbers = #tpu.dot_dimension_numbers<[1], [0], [0], [1], [0, 0, 1, 1], [], []>, transpose_lhs_hint = false} : vector<992x512xbf16>, vector<512x512xbf16>, vector<992x512xf32> -> vector<992x512xf32>
    %add3A_198 = arith.addf %dot_general3A_191, %dot_general3A_197 : vector<992x512xf32>
    %get3A_199 = arith.constant 0 : index
    %get3A_200 = arith.constant 0 : index
    %get3A_201 = vector.load %arg6[%get3A_199, %get3A_200] : memref<1x512xf32, #tpu.memory_space<vmem>>, vector<1x512xf32>
    %get3A_202 = arith.constant 0 : index
    %get3A_203 = arith.constant 0 : index
    %get3A_204 = vector.load %arg7[%get3A_202, %get3A_203] : memref<1x512xf32, #tpu.memory_space<vmem>>, vector<1x512xf32>
    %reduce_sum3A_205 = arith.constant dense<0.000000e+00> : vector<512xf32>
    %reduce_sum3A_206 = vector.multi_reduction <add>, %add3A_198, %reduce_sum3A_205 [0] : vector<992x512xf32> to vector<512xf32>
    %broadcast_in_dim3A_207 = vector.shape_cast %reduce_sum3A_206 : vector<512xf32> to vector<1x512xf32>
    %div3A_208 = arith.constant 9.920000e+02 : f32
    %div3A_209 = vector.broadcast %div3A_208 : f32 to vector<1x512xf32>
    %div3A_210 = arith.divf %broadcast_in_dim3A_207, %div3A_209 : vector<1x512xf32>
    %sub3A_211 = vector.broadcast %div3A_210 : vector<1x512xf32> to vector<992x512xf32>
    %sub3A_212 = arith.subf %add3A_198, %sub3A_211 : vector<992x512xf32>
    %integer_pow3A_213 = arith.mulf %sub3A_212, %sub3A_212 : vector<992x512xf32>
    %reduce_sum3A_214 = arith.constant dense<0.000000e+00> : vector<512xf32>
    %reduce_sum3A_215 = vector.multi_reduction <add>, %integer_pow3A_213, %reduce_sum3A_214 [0] : vector<992x512xf32> to vector<512xf32>
    %broadcast_in_dim3A_216 = vector.shape_cast %reduce_sum3A_215 : vector<512xf32> to vector<1x512xf32>
    %div3A_217 = arith.constant 9.920000e+02 : f32
    %div3A_218 = vector.broadcast %div3A_217 : f32 to vector<1x512xf32>
    %div3A_219 = arith.divf %broadcast_in_dim3A_216, %div3A_218 : vector<1x512xf32>
    %sub3A_220 = vector.broadcast %div3A_210 : vector<1x512xf32> to vector<992x512xf32>
    %sub3A_221 = arith.subf %add3A_198, %sub3A_220 : vector<992x512xf32>
    %add3A_222 = arith.constant 9.99999974E-6 : f32
    %add3A_223 = vector.broadcast %add3A_222 : f32 to vector<1x512xf32>
    %add3A_224 = arith.addf %div3A_219, %add3A_223 : vector<1x512xf32>
    %rsqrt3A_225 = math.rsqrt %add3A_224 : vector<1x512xf32>
    %mul3A_226 = vector.broadcast %rsqrt3A_225 : vector<1x512xf32> to vector<992x512xf32>
    %mul3A_227 = arith.mulf %sub3A_221, %mul3A_226 : vector<992x512xf32>
    %mul3A_228 = vector.broadcast %get3A_201 : vector<1x512xf32> to vector<992x512xf32>
    %mul3A_229 = arith.mulf %mul3A_227, %mul3A_228 : vector<992x512xf32>
    %add3A_230 = vector.broadcast %get3A_204 : vector<1x512xf32> to vector<992x512xf32>
    %add3A_231 = arith.addf %mul3A_229, %add3A_230 : vector<992x512xf32>
    %max3A_232 = arith.constant 0.000000e+00 : f32
    %max3A_233 = vector.broadcast %max3A_232 : f32 to vector<992x512xf32>
    %max3A_234 = arith.maximumf %add3A_231, %max3A_233 : vector<992x512xf32>
    %iota3A_235 = tpu.iota {dimensions = array<i32: 0>} : vector<992x1xi32>
    %jit3A_236 = arith.constant 62 : i32
    %eq3A_237 = arith.constant 0 : i32
    %eq3A_238 = arith.cmpi eq, %jit3A_236, %eq3A_237 : i32
    %jit3A_239 = arith.constant 1 : i32
    %select_n3A_240 = arith.select %eq3A_238, %jit3A_239, %jit3A_236 : i32
    %rem3A_241 = vector.broadcast %select_n3A_240 : i32 to vector<992x1xi32>
    %rem3A_242 = arith.remsi %iota3A_235, %rem3A_241 : vector<992x1xi32>
    %ne3A_243 = arith.constant 0 : i32
    %ne3A_244 = vector.broadcast %ne3A_243 : i32 to vector<992x1xi32>
    %ne3A_245 = arith.cmpi ne, %rem3A_242, %ne3A_244 : vector<992x1xi32>
    %lt3A_246 = arith.constant 0 : i32
    %lt3A_247 = vector.broadcast %lt3A_246 : i32 to vector<992x1xi32>
    %lt3A_248 = arith.cmpi slt, %rem3A_242, %lt3A_247 : vector<992x1xi32>
    %lt3A_249 = arith.constant 0 : i32
    %lt3A_250 = arith.cmpi slt, %select_n3A_240, %lt3A_249 : i32
    %ne3A_251 = vector.broadcast %lt3A_250 : i1 to vector<992x1xi1>
    %ne3A_252 = vector.broadcast %ne3A_251 : vector<992x1xi1> to vector<992x1xi1>
    %ne3A_253 = arith.xori %lt3A_248, %ne3A_252 : vector<992x1xi1>
    %and3A_254 = arith.andi %ne3A_253, %ne3A_245 : vector<992x1xi1>
    %add3A_255 = vector.broadcast %select_n3A_240 : i32 to vector<992x1xi32>
    %add3A_256 = arith.addi %rem3A_242, %add3A_255 : vector<992x1xi32>
    %select_n3A_257 = arith.select %and3A_254, %add3A_256, %rem3A_242 : vector<992x1xi1>, vector<992x1xi32>
    %broadcast_in_dim3A_258 = arith.constant 0.000000e+00 : f32
    %broadcast_in_dim3A_259 = vector.broadcast %broadcast_in_dim3A_258 : f32 to vector<992x512xf32>
    %add3A_260 = arith.constant -1 : i32
    %add3A_261 = vector.broadcast %add3A_260 : i32 to vector<992x1xi32>
    %add3A_262 = arith.addi %select_n3A_257, %add3A_261 : vector<992x1xi32>
    %ge3A_263 = arith.constant 0 : i32
    %ge3A_264 = vector.broadcast %ge3A_263 : i32 to vector<992x1xi32>
    %ge3A_265 = arith.cmpi sge, %add3A_262, %ge3A_264 : vector<992x1xi32>
    %add3A_266 = arith.constant -1 : i32
    %add3A_267 = vector.broadcast %add3A_266 : i32 to vector<992x1xi32>
    %add3A_268 = arith.addi %select_n3A_257, %add3A_267 : vector<992x1xi32>
    %le3A_269 = arith.constant 61 : i32
    %le3A_270 = vector.broadcast %le3A_269 : i32 to vector<992x1xi32>
    %le3A_271 = arith.cmpi sle, %add3A_268, %le3A_270 : vector<992x1xi32>
    %and3A_272 = arith.andi %ge3A_265, %le3A_271 : vector<992x1xi1>
    %convert_element_type3A_273 = arith.extui %and3A_272 : vector<992x1xi1> to vector<992x1xi32>
    %convert_element_type3A_274 = arith.sitofp %convert_element_type3A_273 : vector<992x1xi32> to vector<992x1xf32>
    %slice3A_275 = vector.extract_strided_slice %max3A_234 {offsets = [991, 0], sizes = [1, 512], strides = [1, 1]} : vector<992x512xf32> to vector<1x512xf32>
    %slice3A_276 = vector.extract_strided_slice %max3A_234 {offsets = [0, 0], sizes = [991, 512], strides = [1, 1]} : vector<992x512xf32> to vector<991x512xf32>
    %concatenate3A_277 = tpu.concatenate %slice3A_275, %slice3A_276 in 0 : vector<1x512xf32>, vector<991x512xf32> -> vector<992x512xf32>
    %mul3A_278 = vector.broadcast %convert_element_type3A_274 : vector<992x1xf32> to vector<992x512xf32>
    %mul3A_279 = arith.mulf %concatenate3A_277, %mul3A_278 : vector<992x512xf32>
    %get3A_280 = arith.constant 0 : index
    %get3A_281 = arith.constant 0 : index
    %get3A_282 = arith.constant 0 : index
    %get3A_283 = vector.load %arg8[%get3A_280, %get3A_281, %get3A_282] : memref<3x512x512xbf16, #tpu.memory_space<vmem>>, vector<1x512x512xbf16>
    %get3A_284 = vector.shape_cast %get3A_283 : vector<1x512x512xbf16> to vector<512x512xbf16>
    %convert_element_type3A_285 = arith.truncf %mul3A_279 : vector<992x512xf32> to vector<992x512xbf16>
    %dot_general3A_286 = arith.constant dense<0.000000e+00> : vector<992x512xf32>
    %dot_general3A_287 = tpu.matmul %convert_element_type3A_285, %get3A_284, %dot_general3A_286 {dimension_numbers = #tpu.dot_dimension_numbers<[1], [0], [0], [1], [0, 0, 1, 1], [], []>, transpose_lhs_hint = false} : vector<992x512xbf16>, vector<512x512xbf16>, vector<992x512xf32> -> vector<992x512xf32>
    %add3A_288 = arith.addf %broadcast_in_dim3A_259, %dot_general3A_287 : vector<992x512xf32>
    %add3A_289 = arith.constant 0 : i32
    %add3A_290 = vector.broadcast %add3A_289 : i32 to vector<992x1xi32>
    %add3A_291 = arith.addi %select_n3A_257, %add3A_290 : vector<992x1xi32>
    %ge3A_292 = arith.constant 0 : i32
    %ge3A_293 = vector.broadcast %ge3A_292 : i32 to vector<992x1xi32>
    %ge3A_294 = arith.cmpi sge, %add3A_291, %ge3A_293 : vector<992x1xi32>
    %add3A_295 = arith.constant 0 : i32
    %add3A_296 = vector.broadcast %add3A_295 : i32 to vector<992x1xi32>
    %add3A_297 = arith.addi %select_n3A_257, %add3A_296 : vector<992x1xi32>
    %le3A_298 = arith.constant 61 : i32
    %le3A_299 = vector.broadcast %le3A_298 : i32 to vector<992x1xi32>
    %le3A_300 = arith.cmpi sle, %add3A_297, %le3A_299 : vector<992x1xi32>
    %and3A_301 = arith.andi %ge3A_294, %le3A_300 : vector<992x1xi1>
    %convert_element_type3A_302 = arith.extui %and3A_301 : vector<992x1xi1> to vector<992x1xi32>
    %convert_element_type3A_303 = arith.sitofp %convert_element_type3A_302 : vector<992x1xi32> to vector<992x1xf32>
    %mul3A_304 = vector.broadcast %convert_element_type3A_303 : vector<992x1xf32> to vector<992x512xf32>
    %mul3A_305 = arith.mulf %max3A_234, %mul3A_304 : vector<992x512xf32>
    %get3A_306 = arith.constant 1 : index
    %get3A_307 = arith.constant 0 : index
    %get3A_308 = arith.constant 0 : index
    %get3A_309 = vector.load %arg8[%get3A_306, %get3A_307, %get3A_308] : memref<3x512x512xbf16, #tpu.memory_space<vmem>>, vector<1x512x512xbf16>
    %get3A_310 = vector.shape_cast %get3A_309 : vector<1x512x512xbf16> to vector<512x512xbf16>
    %convert_element_type3A_311 = arith.truncf %mul3A_305 : vector<992x512xf32> to vector<992x512xbf16>
    %dot_general3A_312 = arith.constant dense<0.000000e+00> : vector<992x512xf32>
    %dot_general3A_313 = tpu.matmul %convert_element_type3A_311, %get3A_310, %dot_general3A_312 {dimension_numbers = #tpu.dot_dimension_numbers<[1], [0], [0], [1], [0, 0, 1, 1], [], []>, transpose_lhs_hint = false} : vector<992x512xbf16>, vector<512x512xbf16>, vector<992x512xf32> -> vector<992x512xf32>
    %add3A_314 = arith.addf %add3A_288, %dot_general3A_313 : vector<992x512xf32>
    %add3A_315 = arith.constant 1 : i32
    %add3A_316 = vector.broadcast %add3A_315 : i32 to vector<992x1xi32>
    %add3A_317 = arith.addi %select_n3A_257, %add3A_316 : vector<992x1xi32>
    %ge3A_318 = arith.constant 0 : i32
    %ge3A_319 = vector.broadcast %ge3A_318 : i32 to vector<992x1xi32>
    %ge3A_320 = arith.cmpi sge, %add3A_317, %ge3A_319 : vector<992x1xi32>
    %add3A_321 = arith.constant 1 : i32
    %add3A_322 = vector.broadcast %add3A_321 : i32 to vector<992x1xi32>
    %add3A_323 = arith.addi %select_n3A_257, %add3A_322 : vector<992x1xi32>
    %le3A_324 = arith.constant 61 : i32
    %le3A_325 = vector.broadcast %le3A_324 : i32 to vector<992x1xi32>
    %le3A_326 = arith.cmpi sle, %add3A_323, %le3A_325 : vector<992x1xi32>
    %and3A_327 = arith.andi %ge3A_320, %le3A_326 : vector<992x1xi1>
    %convert_element_type3A_328 = arith.extui %and3A_327 : vector<992x1xi1> to vector<992x1xi32>
    %convert_element_type3A_329 = arith.sitofp %convert_element_type3A_328 : vector<992x1xi32> to vector<992x1xf32>
    %slice3A_330 = vector.extract_strided_slice %max3A_234 {offsets = [1, 0], sizes = [991, 512], strides = [1, 1]} : vector<992x512xf32> to vector<991x512xf32>
    %slice3A_331 = vector.extract_strided_slice %max3A_234 {offsets = [0, 0], sizes = [1, 512], strides = [1, 1]} : vector<992x512xf32> to vector<1x512xf32>
    %concatenate3A_332 = tpu.concatenate %slice3A_330, %slice3A_331 in 0 : vector<991x512xf32>, vector<1x512xf32> -> vector<992x512xf32>
    %mul3A_333 = vector.broadcast %convert_element_type3A_329 : vector<992x1xf32> to vector<992x512xf32>
    %mul3A_334 = arith.mulf %concatenate3A_332, %mul3A_333 : vector<992x512xf32>
    %get3A_335 = arith.constant 2 : index
    %get3A_336 = arith.constant 0 : index
    %get3A_337 = arith.constant 0 : index
    %get3A_338 = vector.load %arg8[%get3A_335, %get3A_336, %get3A_337] : memref<3x512x512xbf16, #tpu.memory_space<vmem>>, vector<1x512x512xbf16>
    %get3A_339 = vector.shape_cast %get3A_338 : vector<1x512x512xbf16> to vector<512x512xbf16>
    %convert_element_type3A_340 = arith.truncf %mul3A_334 : vector<992x512xf32> to vector<992x512xbf16>
    %dot_general3A_341 = arith.constant dense<0.000000e+00> : vector<992x512xf32>
    %dot_general3A_342 = tpu.matmul %convert_element_type3A_340, %get3A_339, %dot_general3A_341 {dimension_numbers = #tpu.dot_dimension_numbers<[1], [0], [0], [1], [0, 0, 1, 1], [], []>, transpose_lhs_hint = false} : vector<992x512xbf16>, vector<512x512xbf16>, vector<992x512xf32> -> vector<992x512xf32>
    %add3A_343 = arith.addf %add3A_314, %dot_general3A_342 : vector<992x512xf32>
    %get3A_344 = arith.constant 0 : index
    %get3A_345 = arith.constant 0 : index
    %get3A_346 = vector.load %arg9[%get3A_344, %get3A_345] : memref<1x512xf32, #tpu.memory_space<vmem>>, vector<1x512xf32>
    %get3A_347 = arith.constant 0 : index
    %get3A_348 = arith.constant 0 : index
    %get3A_349 = vector.load %arg10[%get3A_347, %get3A_348] : memref<1x512xf32, #tpu.memory_space<vmem>>, vector<1x512xf32>
    %reduce_sum3A_350 = arith.constant dense<0.000000e+00> : vector<512xf32>
    %reduce_sum3A_351 = vector.multi_reduction <add>, %add3A_343, %reduce_sum3A_350 [0] : vector<992x512xf32> to vector<512xf32>
    %broadcast_in_dim3A_352 = vector.shape_cast %reduce_sum3A_351 : vector<512xf32> to vector<1x512xf32>
    %div3A_353 = arith.constant 9.920000e+02 : f32
    %div3A_354 = vector.broadcast %div3A_353 : f32 to vector<1x512xf32>
    %div3A_355 = arith.divf %broadcast_in_dim3A_352, %div3A_354 : vector<1x512xf32>
    %sub3A_356 = vector.broadcast %div3A_355 : vector<1x512xf32> to vector<992x512xf32>
    %sub3A_357 = arith.subf %add3A_343, %sub3A_356 : vector<992x512xf32>
    %integer_pow3A_358 = arith.mulf %sub3A_357, %sub3A_357 : vector<992x512xf32>
    %reduce_sum3A_359 = arith.constant dense<0.000000e+00> : vector<512xf32>
    %reduce_sum3A_360 = vector.multi_reduction <add>, %integer_pow3A_358, %reduce_sum3A_359 [0] : vector<992x512xf32> to vector<512xf32>
    %broadcast_in_dim3A_361 = vector.shape_cast %reduce_sum3A_360 : vector<512xf32> to vector<1x512xf32>
    %div3A_362 = arith.constant 9.920000e+02 : f32
    %div3A_363 = vector.broadcast %div3A_362 : f32 to vector<1x512xf32>
    %div3A_364 = arith.divf %broadcast_in_dim3A_361, %div3A_363 : vector<1x512xf32>
    %sub3A_365 = vector.broadcast %div3A_355 : vector<1x512xf32> to vector<992x512xf32>
    %sub3A_366 = arith.subf %add3A_343, %sub3A_365 : vector<992x512xf32>
    %add3A_367 = arith.constant 9.99999974E-6 : f32
    %add3A_368 = vector.broadcast %add3A_367 : f32 to vector<1x512xf32>
    %add3A_369 = arith.addf %div3A_364, %add3A_368 : vector<1x512xf32>
    %rsqrt3A_370 = math.rsqrt %add3A_369 : vector<1x512xf32>
    %mul3A_371 = vector.broadcast %rsqrt3A_370 : vector<1x512xf32> to vector<992x512xf32>
    %mul3A_372 = arith.mulf %sub3A_366, %mul3A_371 : vector<992x512xf32>
    %mul3A_373 = vector.broadcast %get3A_346 : vector<1x512xf32> to vector<992x512xf32>
    %mul3A_374 = arith.mulf %mul3A_372, %mul3A_373 : vector<992x512xf32>
    %add3A_375 = vector.broadcast %get3A_349 : vector<1x512xf32> to vector<992x512xf32>
    %add3A_376 = arith.addf %mul3A_374, %add3A_375 : vector<992x512xf32>
    %reshape3A_377 = vector.shape_cast %add3A_376 : vector<992x512xf32> to vector<16x31x2x512xf32>
    %slice3A_378 = vector.extract_strided_slice %reshape3A_377 {offsets = [0, 0, 0, 0], sizes = [16, 31, 1, 512], strides = [1, 1, 1, 1]} : vector<16x31x2x512xf32> to vector<16x31x1x512xf32>
    %squeeze3A_379 = vector.shape_cast %slice3A_378 : vector<16x31x1x512xf32> to vector<16x31x512xf32>
    %slice3A_380 = vector.extract_strided_slice %reshape3A_377 {offsets = [0, 0, 1, 0], sizes = [16, 31, 1, 512], strides = [1, 1, 1, 1]} : vector<16x31x2x512xf32> to vector<16x31x1x512xf32>
    %squeeze3A_381 = vector.shape_cast %slice3A_380 : vector<16x31x1x512xf32> to vector<16x31x512xf32>
    %max3A_382 = arith.maximumf %squeeze3A_379, %squeeze3A_381 : vector<16x31x512xf32>
    %max3A_383 = arith.constant 0.000000e+00 : f32
    %max3A_384 = vector.broadcast %max3A_383 : f32 to vector<16x31x512xf32>
    %max3A_385 = arith.maximumf %max3A_382, %max3A_384 : vector<16x31x512xf32>
    %reshape3A_386 = vector.shape_cast %max3A_385 : vector<16x31x512xf32> to vector<496x512xf32>
    %swap3A_387 = arith.constant 0 : index
    %swap3A_388 = arith.constant 0 : index
    %swap3A_389 = vector.load %arg13[%swap3A_387, %swap3A_388] : memref<496x512xf32, #tpu.memory_space<vmem>>, vector<496x512xf32>
    tpu.vector_store %arg13[%swap3A_387, %swap3A_388], %reshape3A_386 {strides = array<i32>} : memref<496x512xf32, #tpu.memory_space<vmem>>, vector<496x512xf32>,
    %reduce_max3A = arith.constant dense<0xFF800000> : vector<16x512xf32>
    %reduce_max3A_390 = vector.multi_reduction <maximumf>, %max3A_385, %reduce_max3A [1] : vector<16x31x512xf32> to vector<16x512xf32>
    %swap3A_391 = arith.constant 0 : index
    %swap3A_392 = arith.constant 0 : index
    %swap3A_393 = vector.load %arg14[%swap3A_391, %swap3A_392] : memref<16x512xf32, #tpu.memory_space<vmem>>, vector<16x512xf32>
    tpu.vector_store %arg14[%swap3A_391, %swap3A_392], %reduce_max3A_390 {strides = array<i32>} : memref<16x512xf32, #tpu.memory_space<vmem>>, vector<16x512xf32>,
    return
  }
}

module attributes {stable_mosaic.version = 14 : i64} {
  func.func @_mlp_body(%arg0: memref<16x512xf32, #tpu.memory_space<vmem>>, %arg1: memref<128x512xf32, #tpu.memory_space<vmem>>, %arg2: memref<128x512xf32, #tpu.memory_space<vmem>>, %arg3: memref<512x128xf32, #tpu.memory_space<vmem>>, %arg4: memref<512x128xf32, #tpu.memory_space<vmem>>, %arg5: memref<1x128xf32, #tpu.memory_space<vmem>>, %arg6: memref<128x2xf32, #tpu.memory_space<vmem>>, %arg7: memref<1x2xf32, #tpu.memory_space<vmem>>, %arg8: memref<128x2xf32, #tpu.memory_space<vmem>>, %arg9: memref<128x2xf32, #tpu.memory_space<vmem>>) attributes {dimension_semantics = [], scalar_prefetch = 0 : i64, scratch_operands = 0 : i64, tpu.core_type = #tpu.core_type<tc>} {
    %get3A = arith.constant 0 : index
    %get3A_0 = arith.constant 0 : index
    %get3A_1 = vector.load %arg1[%get3A, %get3A_0] : memref<128x512xf32, #tpu.memory_space<vmem>>, vector<128x512xf32>
    %get3A_2 = arith.constant 0 : index
    %get3A_3 = arith.constant 0 : index
    %get3A_4 = vector.load %arg2[%get3A_2, %get3A_3] : memref<128x512xf32, #tpu.memory_space<vmem>>, vector<128x512xf32>
    %get3A_5 = arith.constant 0 : index
    %get3A_6 = arith.constant 0 : index
    %get3A_7 = vector.load %arg0[%get3A_5, %get3A_6] : memref<16x512xf32, #tpu.memory_space<vmem>>, vector<16x512xf32>
    %get3A_8 = arith.constant 0 : index
    %get3A_9 = arith.constant 0 : index
    %get3A_10 = vector.load %arg3[%get3A_8, %get3A_9] : memref<512x128xf32, #tpu.memory_space<vmem>>, vector<512x128xf32>
    %convert_element_type3A = arith.truncf %get3A_7 : vector<16x512xf32> to vector<16x512xbf16>
    %convert_element_type3A_11 = arith.truncf %get3A_10 : vector<512x128xf32> to vector<512x128xbf16>
    %dot_general3A = arith.constant dense<0.000000e+00> : vector<16x128xf32>
    %dot_general3A_12 = tpu.matmul %convert_element_type3A, %convert_element_type3A_11, %dot_general3A {dimension_numbers = #tpu.dot_dimension_numbers<[1], [0], [0], [1], [0, 0, 1, 1], [], []>, transpose_lhs_hint = false} : vector<16x512xbf16>, vector<512x128xbf16>, vector<16x128xf32> -> vector<16x128xf32>
    %get3A_13 = arith.constant 0 : index
    %get3A_14 = arith.constant 0 : index
    %get3A_15 = vector.load %arg5[%get3A_13, %get3A_14] : memref<1x128xf32, #tpu.memory_space<vmem>>, vector<1x128xf32>
    %add3A = vector.broadcast %get3A_15 : vector<1x128xf32> to vector<16x128xf32>
    %add3A_16 = arith.addf %dot_general3A_12, %add3A : vector<16x128xf32>
    %get3A_17 = arith.constant 0 : index
    %get3A_18 = arith.constant 0 : index
    %get3A_19 = vector.load %arg4[%get3A_17, %get3A_18] : memref<512x128xf32, #tpu.memory_space<vmem>>, vector<512x128xf32>
    %convert_element_type3A_20 = arith.truncf %get3A_1 : vector<128x512xf32> to vector<128x512xbf16>
    %convert_element_type3A_21 = arith.truncf %get3A_19 : vector<512x128xf32> to vector<512x128xbf16>
    %dot_general3A_22 = arith.constant dense<0.000000e+00> : vector<128x128xf32>
    %dot_general3A_23 = tpu.matmul %convert_element_type3A_20, %convert_element_type3A_21, %dot_general3A_22 {dimension_numbers = #tpu.dot_dimension_numbers<[1], [0], [0], [1], [0, 0, 1, 1], [], []>, transpose_lhs_hint = false} : vector<128x512xbf16>, vector<512x128xbf16>, vector<128x128xf32> -> vector<128x128xf32>
    %reshape3A = vector.shape_cast %dot_general3A_23 : vector<128x128xf32> to vector<16x8x128xf32>
    %get3A_24 = arith.constant 0 : index
    %get3A_25 = arith.constant 0 : index
    %get3A_26 = vector.load %arg4[%get3A_24, %get3A_25] : memref<512x128xf32, #tpu.memory_space<vmem>>, vector<512x128xf32>
    %convert_element_type3A_27 = arith.truncf %get3A_4 : vector<128x512xf32> to vector<128x512xbf16>
    %convert_element_type3A_28 = arith.truncf %get3A_26 : vector<512x128xf32> to vector<512x128xbf16>
    %dot_general3A_29 = arith.constant dense<0.000000e+00> : vector<128x128xf32>
    %dot_general3A_30 = tpu.matmul %convert_element_type3A_27, %convert_element_type3A_28, %dot_general3A_29 {dimension_numbers = #tpu.dot_dimension_numbers<[1], [0], [0], [1], [0, 0, 1, 1], [], []>, transpose_lhs_hint = false} : vector<128x512xbf16>, vector<512x128xbf16>, vector<128x128xf32> -> vector<128x128xf32>
    %reshape3A_31 = vector.shape_cast %dot_general3A_30 : vector<128x128xf32> to vector<16x8x128xf32>
    %broadcast_in_dim3A = vector.shape_cast %add3A_16 : vector<16x128xf32> to vector<16x1x128xf32>
    %add3A_32 = vector.broadcast %broadcast_in_dim3A : vector<16x1x128xf32> to vector<16x8x128xf32>
    %add3A_33 = arith.addf %reshape3A, %add3A_32 : vector<16x8x128xf32>
    %max3A = arith.constant 0.000000e+00 : f32
    %max3A_34 = vector.broadcast %max3A : f32 to vector<16x8x128xf32>
    %max3A_35 = arith.maximumf %add3A_33, %max3A_34 : vector<16x8x128xf32>
    %reshape3A_36 = vector.shape_cast %max3A_35 : vector<16x8x128xf32> to vector<128x128xf32>
    %broadcast_in_dim3A_37 = vector.shape_cast %add3A_16 : vector<16x128xf32> to vector<16x1x128xf32>
    %add3A_38 = vector.broadcast %broadcast_in_dim3A_37 : vector<16x1x128xf32> to vector<16x8x128xf32>
    %add3A_39 = arith.addf %reshape3A_31, %add3A_38 : vector<16x8x128xf32>
    %max3A_40 = arith.constant 0.000000e+00 : f32
    %max3A_41 = vector.broadcast %max3A_40 : f32 to vector<16x8x128xf32>
    %max3A_42 = arith.maximumf %add3A_39, %max3A_41 : vector<16x8x128xf32>
    %reshape3A_43 = vector.shape_cast %max3A_42 : vector<16x8x128xf32> to vector<128x128xf32>
    %get3A_44 = arith.constant 0 : index
    %get3A_45 = arith.constant 0 : index
    %get3A_46 = vector.load %arg6[%get3A_44, %get3A_45] : memref<128x2xf32, #tpu.memory_space<vmem>>, vector<128x2xf32>
    %convert_element_type3A_47 = arith.truncf %reshape3A_36 : vector<128x128xf32> to vector<128x128xbf16>
    %convert_element_type3A_48 = arith.truncf %get3A_46 : vector<128x2xf32> to vector<128x2xbf16>
    %dot_general3A_49 = arith.constant dense<0.000000e+00> : vector<128x2xf32>
    %dot_general3A_50 = tpu.matmul %convert_element_type3A_47, %convert_element_type3A_48, %dot_general3A_49 {dimension_numbers = #tpu.dot_dimension_numbers<[1], [0], [0], [1], [0, 0, 1, 1], [], []>, transpose_lhs_hint = false} : vector<128x128xbf16>, vector<128x2xbf16>, vector<128x2xf32> -> vector<128x2xf32>
    %get3A_51 = arith.constant 0 : index
    %get3A_52 = arith.constant 0 : index
    %get3A_53 = vector.load %arg7[%get3A_51, %get3A_52] : memref<1x2xf32, #tpu.memory_space<vmem>>, vector<1x2xf32>
    %add3A_54 = vector.broadcast %get3A_53 : vector<1x2xf32> to vector<128x2xf32>
    %add3A_55 = arith.addf %dot_general3A_50, %add3A_54 : vector<128x2xf32>
    %swap3A = arith.constant 0 : index
    %swap3A_56 = arith.constant 0 : index
    %swap3A_57 = vector.load %arg8[%swap3A, %swap3A_56] : memref<128x2xf32, #tpu.memory_space<vmem>>, vector<128x2xf32>
    tpu.vector_store %arg8[%swap3A, %swap3A_56], %add3A_55 {strides = array<i32>} : memref<128x2xf32, #tpu.memory_space<vmem>>, vector<128x2xf32>,
    %get3A_58 = arith.constant 0 : index
    %get3A_59 = arith.constant 0 : index
    %get3A_60 = vector.load %arg6[%get3A_58, %get3A_59] : memref<128x2xf32, #tpu.memory_space<vmem>>, vector<128x2xf32>
    %convert_element_type3A_61 = arith.truncf %reshape3A_43 : vector<128x128xf32> to vector<128x128xbf16>
    %convert_element_type3A_62 = arith.truncf %get3A_60 : vector<128x2xf32> to vector<128x2xbf16>
    %dot_general3A_63 = arith.constant dense<0.000000e+00> : vector<128x2xf32>
    %dot_general3A_64 = tpu.matmul %convert_element_type3A_61, %convert_element_type3A_62, %dot_general3A_63 {dimension_numbers = #tpu.dot_dimension_numbers<[1], [0], [0], [1], [0, 0, 1, 1], [], []>, transpose_lhs_hint = false} : vector<128x128xbf16>, vector<128x2xbf16>, vector<128x2xf32> -> vector<128x2xf32>
    %get3A_65 = arith.constant 0 : index
    %get3A_66 = arith.constant 0 : index
    %get3A_67 = vector.load %arg7[%get3A_65, %get3A_66] : memref<1x2xf32, #tpu.memory_space<vmem>>, vector<1x2xf32>
    %add3A_68 = vector.broadcast %get3A_67 : vector<1x2xf32> to vector<128x2xf32>
    %add3A_69 = arith.addf %dot_general3A_64, %add3A_68 : vector<128x2xf32>
    %swap3A_70 = arith.constant 0 : index
    %swap3A_71 = arith.constant 0 : index
    %swap3A_72 = vector.load %arg9[%swap3A_70, %swap3A_71] : memref<128x2xf32, #tpu.memory_space<vmem>>, vector<128x2xf32>
    tpu.vector_store %arg9[%swap3A_70, %swap3A_71], %add3A_69 {strides = array<i32>} : memref<128x2xf32, #tpu.memory_space<vmem>>, vector<128x2xf32>,
    return
  }
}

</mosaic_0001>

<sc_bundles>
// kernel: kernel.9.cloned.1.call-start
scs
__scs_entry_jumppad:
0x0: {  	(pc) =	sbr.rel $0x88, $3  }
0x1: {  	(tag) =	ssettag $0x0;
	lr =	simm.s32 $0x1  }
0x2: {  	[smem:$0x3F87] =	sst lr;
	_ =	strace $0xD0000000  }
0x3: {  	_ = 	snop  }
0x4: {  	_ = 	snop  }
0x5: {  	_ = 	snop  }
0x6: {  	_ = 	snop  }
0x7: {  	_ = 	snop  }
__scs_overlays_trampoline_lowered:
0x8: {  	[smem:$0x3F96] =	sst s0  }
0x9: {  	[smem:$0x3F97] =	sst s1  }
0xa: {  	[smem:$0x3F98] =	sst s2  }
0xb: {  	[smem:$0x3F99] =	sst s3  }
0xc: {  	[smem:$0x3F9A] =	sst s4  }
0xd: {  	[smem:$0x3F9B] =	sst s5  }
0xe: {  	[smem:$0x3F9C] =	sst s6  }
0xf: {  	[smem:$0x3F9D] =	sst s7  }
0x10: {  	[smem:$0x3F9E] =	sst s8  }
0x11: {  	[smem:$0x3F9F] =	sst s9;
	s0 =	simm.s32 @!p0 $0x0  }
0x12: {  	s1 =	sld [smem:$0x3F85];
	s0 =	simm.s32 @p0 $0x1  }
0x13: {  	[smem:$0x3FA0] =	sst s0;
	s0 =	simm.s32 @!p1 $0x0  }
0x14: {  	s2 =	sld [smem:$0x3F84];
	s0 =	simm.s32 @p1 $0x1  }
0x15: {  	[smem:$0x3FA1] =	sst s0;
	s0 =	simm.s32 @!p2 $0x0  }
0x16: {  	s3 =	sld [smem:$0x3FDB];
	s0 =	simm.s32 @p2 $0x1  }
0x17: {  	s4 =	simm.s32 $0x1BF5;
	[smem:$0x3FA3] =	sst s0  }
0x18: {  	s0 =	sld [smem:$0x3F86];
	_ =	swait.ge [sflag:s4], $0x0  }
0x19: {  	s7 =	sld [smem:$0x3F87]  }
0x1a: {  	s8 =	sadd.s32 $0xFFFFE003, lr  }
0x1b: {  	s9 =	sadd.s32 $0xFFFFFEF7, lr;
	s5 =	simm.s32 $0xFFFFFFFF;
	p2 =	slt.u32 s8, $0xFFFFF086  }
0x1c: {  	p1 =	slt.u32 s9, $0xF7A;
	s5 =	simm.s32 @!p2 $0x0  }
0x1d: {  	s5 =	simm.s32 @p1 $0x1;
	p0 =	seq.s32 s7, s2  }
0x1e: {  	s7 =	smul.u32 @!p0 $0xF7A, s2;
	p2 =	seq.s32 @!p0 s5, $0x0  }
0x1f: {  	s9 =	smul.u32 $0xF7A, s1;
	s8 =	simm.s32 @!p0 $0x1BF5;
	p2 =	por !p2, p0  }
0x20: {  	[sflag:s8] =	ssyncset.s32 @!p0 $0xFFFFF086;
	s6 =	sadd.s32 @!p0 s3, s7;
	s7 =	simm.s32 @!p0 $0x108  }
0x21: {  	s3 =	sadd.s32 s3, s9;
	s6 =	sadd.s32 @!p0 $0x88, s6;
	s7 =	simm.s32 @p2 $0x1082  }
0x22: {  	[simem:s7], [sflag:s8] =	dma.local @!p0 [hbm:s6], $0xF7A  }
0x23: {  	s9 =	sor.u32 $0xD0000000, s2;
	s6 =	simm.s32 $0x108;
	_ =	swait.ge @!p0 [sflag:s8], $0x0  }
0x24: {  	s3 =	sadd.s32 $0x88, s3;
	s6 =	simm.s32 @!p1 $0x1082;
	[sflag:s4] =	ssyncset.s32 $0xFFFFF086  }
0x25: {  	[simem:s6], [sflag:s4] =	dma.local [hbm:s3], $0xF7A  }
0x26: {  	[smem:$0x3F87] =	sst s1;
	(tag) =	ssettag s2;
	_ =	strace s9  }
0x27: {  	s1 =	sld [smem:$0x3F97]  }
0x28: {  	s2 =	sld [smem:$0x3F98]  }
0x29: {  	s4 =	sld [smem:$0x3F9A]  }
0x2a: {  	p0 =	seq.s32 s5, $0x0;
	s5 =	sld [smem:$0x3F9B]  }
0x2b: {  	s6 =	sld [smem:$0x3F9C]  }
0x2c: {  	s7 =	sld [smem:$0x3F9D]  }
0x2d: {  	s3 =	simm.s32 $0x108;
	s8 =	sld [smem:$0x3F9E]  }
0x2e: {  	s3 =	simm.s32 @!p0 $0x1082;
	s9 =	sld [smem:$0x3F9F]  }
0x2f: {  	lr =	sadd.s32 s0, s3;
	s0 =	sld [smem:$0x3F96]  }
0x30: {  	s3 =	sld [smem:$0x3F99]  }
0x31: {  	[smem:$0x3FA2] =	sst s10  }
0x32: {  	s10 =	sld [smem:$0x3FA0];
	_ =	sdelay $0x3  }
0x33: {  	p0 =	seq.s32 s10, $0x1;
	s10 =	sld [smem:$0x3FA2];
	_ =	sdelay $0x3  }
0x34: {  	[smem:$0x3FA2] =	sst s10  }
0x35: {  	s10 =	sld [smem:$0x3FA1];
	_ =	sdelay $0x3  }
0x36: {  	p1 =	seq.s32 s10, $0x1;
	s10 =	sld [smem:$0x3FA2];
	_ =	sdelay $0x3  }
0x37: {  	[smem:$0x3FA2] =	sst s10  }
0x38: {  	s10 =	sld [smem:$0x3FA3]  }
0x39: {  	_ = 	snop;
	(pc) =	sbr.ind lr, $3  }
0x3a: {  	_ = 	snop  }
0x3b: {  	_ = 	snop  }
0x3c: {  	p2 =	seq.s32 s10, $0x1;
	s10 =	sld [smem:$0x3FA2]  }
0x3d: {  	_ =	shalt  }
0x3e: {  	_ =	shalt  }
0x3f: {  	_ =	shalt  }
0x40: {  	_ =	shalt  }
0x41: {  	_ =	shalt  }
0x42: {  	_ =	shalt  }
0x43: {  	_ =	shalt  }
0x44: {  	_ =	shalt  }
0x45: {  	_ =	shalt  }
0x46: {  	_ =	shalt  }
0x47: {  	_ =	shalt  }
0x48: {  	_ =	shalt  }
0x49: {  	_ =	shalt  }
0x4a: {  	_ =	shalt  }
0x4b: {  	_ =	shalt  }
0x4c: {  	_ =	shalt  }
0x4d: {  	_ =	shalt  }
0x4e: {  	_ =	shalt  }
0x4f: {  	_ =	shalt  }
0x50: {  	_ =	shalt  }
0x51: {  	_ =	shalt  }
0x52: {  	_ =	shalt  }
0x53: {  	_ =	shalt  }
0x54: {  	_ =	shalt  }
0x55: {  	_ =	shalt  }
0x56: {  	_ =	shalt  }
0x57: {  	_ =	shalt  }
0x58: {  	_ =	shalt  }
0x59: {  	_ =	shalt  }
0x5a: {  	_ =	shalt  }
0x5b: {  	_ =	shalt  }
0x5c: {  	_ =	shalt  }
0x5d: {  	_ =	shalt  }
0x5e: {  	_ =	shalt  }
0x5f: {  	_ =	shalt  }
0x60: {  	_ =	shalt  }
0x61: {  	_ =	shalt  }
0x62: {  	_ =	shalt  }
0x63: {  	_ =	shalt  }
0x64: {  	_ =	shalt  }
0x65: {  	_ =	shalt  }
0x66: {  	_ =	shalt  }
0x67: {  	_ =	shalt  }
0x68: {  	_ =	shalt  }
0x69: {  	_ =	shalt  }
0x6a: {  	_ =	shalt  }
0x6b: {  	_ =	shalt  }
0x6c: {  	_ =	shalt  }
0x6d: {  	_ =	shalt  }
0x6e: {  	_ =	shalt  }
0x6f: {  	_ =	shalt  }
0x70: {  	_ =	shalt  }
0x71: {  	_ =	shalt  }
0x72: {  	_ =	shalt  }
0x73: {  	_ =	shalt  }
0x74: {  	_ =	shalt  }
0x75: {  	_ =	shalt  }
0x76: {  	_ =	shalt  }
0x77: {  	_ =	shalt  }
0x78: {  	_ =	shalt  }
0x79: {  	_ =	shalt  }
0x7a: {  	_ =	shalt  }
0x7b: {  	_ =	shalt  }
0x7c: {  	_ =	shalt  }
0x7d: {  	_ =	shalt  }
0x7e: {  	_ =	shalt  }
0x7f: {  	_ =	shalt  }
0x80: {  	_ =	shalt  }
0x81: {  	_ =	shalt  }
0x82: {  	_ =	shalt  }
0x83: {  	_ =	shalt  }
0x84: {  	_ =	shalt  }
0x85: {  	_ =	shalt  }
0x86: {  	_ =	shalt  }
0x87: {  	_ =	shalt  }
.Lfunc_end0:
.L_simem_size_0:
called_computation.1_lowered:
.L_overlay_start_0:
0x88: {  	s2 =	sld [smem:$0x3FD9]  }
0x89: {  	s3 =	sld [smem:$0x3FFE];
	_ =	sdelay $0x1  }
0x8a: {  	s1 =	srdreg.scid  }
0x8b: {  	s0 =	sand.u32 $0x1, s1  }
0x8c: {  	s14 =	sshll.u32 s0, $0xA;
	s2 =	sadd.s32 s3, s2  }
0x8d: {  	s2 =	sadd.s32 s2, s14  }
0x8e: {  	[smem:$0x3FAE] =	sst s2  }
0x8f: {  	_ = 	snop  }
0x90: {  	s2 =	sld [smem:$0x3FD0];
	_ =	sdelay $0x2  }
0x91: {  	s15 =	simm.s32 $0xA;
	s4 =	simm.s32 $0x10  }
0x92: {  	[smem:s4], [sflag:s15] =	dma.local [hbm:s2], $0x1  }
0x93: {  	_ =	swait.eq [sflag:s15], $0x1  }
0x94: {  	[sflag:s15] =	ssyncset.done $0x0  }
0x95: {  	[sflag:s15] =	ssyncadd.s32 $0xFFFFFFFF  }
0x96: {  	s16 =	sld [smem:$0x11];
	(tm) =	ssettm $0x1  }
0x97: {  	s17 =	sld [smem:$0x3FFB];
	_ =	sdelay $0x3  }
0x98: {  	_ =	strace s17  }
0x99: {  	s3 =	sld [smem:$0x3FFC];
	_ =	sdelay $0x3  }
0x9a: {  	_ =	strace s3  }
0x9b: {  	s3 =	sld [smem:$0x3FFD];
	_ =	sdelay $0x3  }
0x9c: {  	_ =	strace s3  }
0x9d: {  	_ =	strace $0x8FFFFFFF  }
0x9e: {  	s18 =	sld [smem:$0x3FDB];
	_ =	sdelay $0x1  }
0x9f: {  	s19 =	simm.s32 $_scs_section_size  }
0xa0: {  	s5 =	simm.s32 $_size__tile_overlayer_lowered;
	s6 =	simm.s32 $_tile_overlayer_lowered  }
0xa1: {  	s22 =	simm.s32 $0x1BFF;
	s21 =	sshll.u32 s6, $0x1;
	s3 =	sadd.s32 s19, s18  }
0xa2: {  	s7 =	simm.s32 $0x0;
	s20 =	sshll.u32 s5, $0x1;
	s5 =	sadd.s32 s21, s3  }
0xa3: {  	[timem:s7], [sflag:s22] =	dma.local [hbm:s5], s20  }
0xa4: {  	_ =	swait.ge [sflag:s22], s20  }
0xa5: {  	s4 =	ssub.s32 $0x0, s20;
	[sflag:s22] =	ssyncset.done $0x0  }
0xa6: {  	[sflag:s22] =	ssyncadd.s32 s4;
	_ =	sdelay $0x1  }
0xa7: {  	s23 =	simm.s32 $0x1B8B  }
0xa8: {  	_ =	swait.ge [sflag:s23], $0x1  }
0xa9: {  	[sflag:s23] =	ssyncset.done $0x0  }
0xaa: {  	s25 =	simm.s32 $0x1B8E;
	s24 =	sld [smem:$0x3FFE];
	[sflag:s23] =	ssyncadd.s32 $0xFFFFFFFF  }
0xab: {  	s26 =	simm.s32 $execute0_lowered;
	[smem:$0x3FD2] =	sst s25  }
0xac: {  	s5 =	sshll.u32 s26, $0x1;
	_ =	strace $0x80000049;
	[dreg:$0x1] =	wrdreg $0xFFFFFFFF  }
0xad: {  	s28 =	simm.s32 $_size_execute0_lowered;
	s3 =	sadd.s32 s3, s5;
	[dreg:$0x0] =	wrdreg $0x0  }
0xae: {  	s5 =	sshll.u32 s28, $0x1;
	[dreg:$0x2] =	wrdreg s3  }
0xaf: {  	[dreg:$0x3] =	wrdreg s5  }
0xb0: {  	[dreg:$0x4] =	wrdreg $0xC0  }
0xb1: {  	_ =	task [dreg:s7], $0x5FFFF  }
0xb2: {  	[dreg:$0x1] =	wrdreg $0xFFFFFFFF  }
0xb3: {  	[dreg:$0x0] =	wrdreg $0x60  }
0xb4: {  	[dreg:$0x2] =	wrdreg s24  }
0xb5: {  	[dreg:$0x3] =	wrdreg s16  }
0xb6: {  	[dreg:$0x4] =	wrdreg $0x9  }
0xb7: {  	_ =	task.clear_ibuf [dreg:s7], $0x5FFFF;
	_ =	strace $0x90000049  }
0xb8: {  	s29 =	simm.s32 $0x9;
	_ =	strace $0x8000004B  }
0xb9: {  	_ =	swait.ge [sflag:s29], $0x1  }
0xba: {  	[sflag:s29] =	ssyncadd.s32 $0xFFFFFFFF  }
0xbb: {  	_ =	strace $0x9000004B  }
0xbc: {  	_ =	sfence  }
0xbd: {  	s30 =	sld [smem:$0x0];
	_ =	sdelay $0x2  }
0xbe: {  	s31 =	sshll.u32 s1, $0xD;
	s1 =	sshrl.u32 s1, $0x2  }
0xbf: {  	s3 =	sand.u32 $0x4000, s31;
	s1 =	sadd.s32 s1, s30  }
0xc0: {  	s0 =	sor.u32 s3, s0;
	s1 =	sshll.u32 s1, $0x11  }
0xc1: {  	s0 =	sor.u32 s1, s0  }
0xc2: {  	s0 =	sadd.s32 $0x8F2B, s0  }
0xc3: {  	[sflag:s0] =	ssyncadd.remote.s32 $0x1  }
0xc4: {  	_ =	sfence.sel $0xFFFF  }
0xc5: {  	[dreg:$0x0] =	wrdreg $0xFFFFFFFF;
	(pc) =	sbr.abs _section_cstart, $3  }
0xc6: {  	[dreg:$0x1] =	wrdreg $0xFFFFFFFF  }
0xc7: {  	_ =	task.clear_ibuf [dreg:s7], $0x2FFFF;
	_ =	strace $0x9FFFFFFF  }
0xc8: {  	(tm) =	ssettm $0x7FFFFFFF  }
0xc9: {  	_ =	shalt  }
tec
execute0_lowered:
.L_overlay_start_1:
0x0: {  	(tag) =	ssettag $0x1  }
0x1: {  	s1 =	stileid.u32  }
0x2: {  	p0 =	sgt.u32 s1, $0x7  }
.Ltmp0:
0x3: {  	_ = 	snop;
	(pc) =	sbr.rel @p0 .LBB2_4-.Ltmp0, $4  }
0x4: {  	s10 =	rddreg [dreg:$0x0]  }
0x5: {  	s3 =	rddreg [dreg:$0x1];
	s2 =	simm.s32 $0x0  }
0x6: {  	[smem:$0x7FF] =	sst s2  }
0x7: {  	s0 =	rddreg [dreg:$0x2];
	_ =	strace $0x8000004A  }
0x8: {  	s4 =	srdreg.scid  }
0x9: {  	s29 =	sshll.u32 s1, $0x1;
	s8 =	sand.u32 $0x1, s4  }
0xa: {  	s11 =	sor.u32 s8, s29  }
0xb: {  	s4 =	sadd.s32 s3, s11;
	s3 =	simm.s32 $0x2  }
0xc: {  	[tilespmem:s2], [sflag:$0x2] =	stream.linear.gather [hbm4b:s4+s2], $0x8, $0x38;
	[tilespmem:$0x1080] =	vst v63  }
0xd: {  	_ =	swait.ge [sflag:s3], $0x8  }
0xe: {  	[sflag:s3] =	ssyncset.done $0x0  }
0xf: {  	[sflag:s3] =	ssyncadd.s32 $0xFFFFFFF8  }
0x10: {  	v0 =	vld.msk [tilespmem:$0x0], $0xff;
	_ =	sdelay $0x4  }
0x11: {  	v1 =	vshll.u32 v0, $0x2  }
0x12: {  	v2 =	vlaneseq.u32;
	v3 =	vand.u32 $0x7, v0;
	v1 =	vand.u32 $0xFFFFFFE0, v1  }
0x13: {  	v0 =	vand.u32 $0x7, v2;
	v2 =	vshrl.u32 v2, $0x3;
	v3 =	vor.u32 v3, v1  }
0x14: {  	v1 =	vmul.u32 $0x8, v2;
	v2 =	vperm.xlane v3, v0;
	_ =	sdelay $0x1  }
0x15: {  	v2 =	vadd.s32 v1, v2;
	_ =	sdelay $0x1  }
0x16: {  	s5 =	sadd.s32 $0x4800, s10;
	s12 =	ssub.s32 $0x2, s8  }
0x17: {  	s6 =	sadd.s32 $0x4900, s10;
	s7 =	simm.s32 $0x80;
	s13 =	sshrl.u32 s12, $0x1  }
0x18: {  	vm0 =	vmmov $0xffff;
	s9 =	simm.s32 $0x1;
	s11 =	sshll.u32 s11, $0x9;
	s31 =	ssub.s32 s12, s13  }
0x19: {  	[tilespmem:s7], [sflag:$0x1] =	stream.indirect_vreg.gather [hbm4b:s5+s2], $0x80, v2, vm0, $0xb8;
	[tilespmem:$0x1080] =	vst v63  }
0x1a: {  	s8 =	simm.s32 $0x880;
	s30 =	sadd.s32 s11, s10;
	s11 =	smax.u32 s31, $0x1  }
0x1b: {  	[tilespmem:s8], [sflag:$0x1] =	stream.indirect_vreg.gather [hbm4b:s6+s2], $0x80, v2, vm0, $0xb8;
	[tilespmem:$0x1080] =	vst v63  }
0x1c: {  	p0 =	sne.s32 s11, $0x1;
	_ =	swait.ge [sflag:s9], $0x1000  }
.Ltmp1:
0x1d: {  	[sflag:s9] =	ssyncset.done $0x0;
	(pc) =	sbr.rel @!p0 .LBB2_3-.Ltmp1, $4  }
0x1e: {  	s10 =	sadd.s32 $0x6800, s30;
	[sflag:s9] =	ssyncadd.s32 $0xFFFFF000  }
0x1f: {  	[hbm4b:s10+s2] =	stream.linear.scatter [tilespmem:s7], [sflag:$0x2], $0x1000, $0x38;
	[tilespmem:$0x1080] =	vst v63  }
0x20: {  	_ =	swait.ge [sflag:s3], $0x1000  }
0x21: {  	s11 =	sadd.s32 $0xFFFFFFFF, s11;
	[sflag:s3] =	ssyncset.done $0x0  }
.LBB2_2:
0x22: {  	p0 =	sne.s32 s11, $0x1;
	s11 =	sadd.s32 $0xFFFFFFFF, s11;
	[sflag:s3] =	ssyncadd.s32 $0xFFFFF000  }
0x23: {  	[tilespmem:s2], [sflag:$0x2] =	stream.linear.gather [hbm4b:s4+s2], $0x8, $0x38;
	[tilespmem:$0x1080] =	vst v63  }
0x24: {  	_ =	swait.ge [sflag:s3], $0x8  }
0x25: {  	[sflag:s3] =	ssyncset.done $0x0  }
0x26: {  	[sflag:s3] =	ssyncadd.s32 $0xFFFFFFF8  }
0x27: {  	v2 =	vld.msk [tilespmem:$0x0], $0xff;
	_ =	sdelay $0x4  }
0x28: {  	v3 =	vshll.u32 v2, $0x2  }
0x29: {  	v2 =	vand.u32 $0x7, v2;
	v3 =	vand.u32 $0xFFFFFFE0, v3  }
0x2a: {  	v2 =	vor.u32 v2, v3  }
0x2b: {  	v2 =	vperm.xlane v2, v0;
	_ =	sdelay $0x1  }
0x2c: {  	v2 =	vadd.s32 v1, v2;
	_ =	sdelay $0x4  }
0x2d: {  	[tilespmem:s7], [sflag:$0x1] =	stream.indirect_vreg.gather [hbm4b:s5+s2], $0x80, v2, vm0, $0xb8;
	[tilespmem:$0x1080] =	vst v63  }
0x2e: {  	_ = 	snop  }
0x2f: {  	[tilespmem:s8], [sflag:$0x1] =	stream.indirect_vreg.gather [hbm4b:s6+s2], $0x80, v2, vm0, $0xb8;
	[tilespmem:$0x1080] =	vst v63  }
0x30: {  	_ =	swait.ge [sflag:s9], $0x1000  }
.Ltmp2:
0x31: {  	[sflag:s9] =	ssyncset.done $0x0;
	(pc) =	sbr.rel @p0 .LBB2_2-.Ltmp2, $4  }
0x32: {  	[sflag:s9] =	ssyncadd.s32 $0xFFFFF000  }
0x33: {  	[hbm4b:s10+s2] =	stream.linear.scatter [tilespmem:s7], [sflag:$0x2], $0x1000, $0x38;
	[tilespmem:$0x1080] =	vst v63  }
0x34: {  	_ =	swait.ge [sflag:s3], $0x1000  }
0x35: {  	[sflag:s3] =	ssyncset.done $0x0  }
.LBB2_3:
0x36: {  	[sflag:s3] =	ssyncadd.s32 $0xFFFFF000  }
.LBB2_4:
0x37: {  	_ =	sfence.sel $0x180000  }
0x38: {  	[bflag:$0x0] =	sbarrier.arrive $0xFFFF  }
0x39: {  	p0 =	sne.s32 s1, $0x0;
	_ =	strace $0x9000004A  }
0x3a: {  	s0 =	sadd.s32 @!p0 $0x100000, s0;
	[bflag:$0x2] =	sbarrier.arrive $0xFFFF  }
0x3b: {  	[sflag:s0] =	ssyncadd.tile.s32 @!p0 $0x1;
	_ =	shalt  }
.Lfunc_end2:
_tile_overlayer_lowered:
.L_overlay_start_2:
0x3c: {  	(tag) =	ssettag $0x2  }
0x3d: {  	s0 =	rddreg [dreg:$0x0];
	s2 =	stileid.u32  }
0x3e: {  	s1 =	rddreg [dreg:$0x1];
	p0 =	sne.s32 s2, $0x0  }
0x3f: {  	s3 =	rddreg [dreg:$0x2];
	[bflag:$0x3] =	sbarrier.arrive $0xFFFF;
	s2 =	simm.s32 @!p0 $0x1C02  }
0x40: {  	[timem:s3], [sflag:s2] =	dma.local @!p0 [hbm:s0], s1  }
0x41: {  	s0 =	simm.s32 @!p0 $0x2  }
0x42: {  	_ =	swait.ge @!p0 [sflag:s0], s1  }
0x43: {  	s1 =	ssub.s32 @!p0 $0x0, s1;
	[sflag:s0] =	ssyncset.done @!p0 $0x0  }
0x44: {  	[sflag:s0] =	ssyncadd.s32 @!p0 s1  }
0x45: {  	[bflag:$0x3] =	sbarrier.arrive $0xFFFF  }
0x46: {  	_ =	shalt  }

// kernel: sparse-core-data-format-call.cloned.1.call-start
scs
called_computation_lowered:
.L_overlay_start_0:
0x0: {  	s1 =	sld [smem:$0x3FD9]  }
0x1: {  	s2 =	sld [smem:$0x3FFE];
	_ =	sdelay $0x1  }
0x2: {  	s3 =	srdreg.scid  }
0x3: {  	s0 =	sand.u32 $0x1, s3  }
0x4: {  	s17 =	sshll.u32 s0, $0xA;
	s1 =	sadd.s32 s2, s1  }
0x5: {  	s1 =	sadd.s32 s1, s17  }
0x6: {  	[smem:$0x3FAE] =	sst s1  }
0x7: {  	_ = 	snop  }
0x8: {  	(tm) =	ssettm $0x1  }
0x9: {  	s18 =	sld [smem:$0x3FFB];
	_ =	sdelay $0x3  }
0xa: {  	_ =	strace s18  }
0xb: {  	s1 =	sld [smem:$0x3FFC];
	_ =	sdelay $0x3  }
0xc: {  	_ =	strace s1  }
0xd: {  	s1 =	sld [smem:$0x3FFD];
	_ =	sdelay $0x3  }
0xe: {  	_ =	strace s1  }
0xf: {  	_ =	strace $0x8FFFFFFF  }
0x10: {  	s19 =	sld [smem:$0x3FDB];
	_ =	sdelay $0x1  }
0x11: {  	s20 =	simm.s32 $_scs_section_size  }
0x12: {  	s4 =	simm.s32 $_size__tile_overlayer_lowered;
	s5 =	simm.s32 $_tile_overlayer_lowered  }
0x13: {  	s23 =	simm.s32 $0x1BFF;
	s22 =	sshll.u32 s5, $0x1;
	s1 =	sadd.s32 s20, s19  }
0x14: {  	s6 =	simm.s32 $0x0;
	s21 =	sshll.u32 s4, $0x1;
	s4 =	sadd.s32 s22, s1  }
0x15: {  	[timem:s6], [sflag:s23] =	dma.local [hbm:s4], s21  }
0x16: {  	_ =	swait.ge [sflag:s23], s21  }
0x17: {  	s2 =	ssub.s32 $0x0, s21;
	[sflag:s23] =	ssyncset.done $0x0  }
0x18: {  	[sflag:s23] =	ssyncadd.s32 s2;
	_ =	sdelay $0x1  }
0x19: {  	s24 =	simm.s32 $0x1B8B  }
0x1a: {  	_ =	swait.ge [sflag:s24], $0x1  }
0x1b: {  	[sflag:s24] =	ssyncset.done $0x0  }
0x1c: {  	s26 =	simm.s32 $0x1B8E;
	s25 =	sld [smem:$0x3FFE];
	[sflag:s24] =	ssyncadd.s32 $0xFFFFFFFF  }
0x1d: {  	s27 =	simm.s32 $execute0_lowered;
	[smem:$0x3FD2] =	sst s26  }
0x1e: {  	s4 =	sshll.u32 s27, $0x1;
	_ =	strace $0x80000046;
	[dreg:$0x1] =	wrdreg $0xFFFFFFFF  }
0x1f: {  	s28 =	simm.s32 $_size_execute0_lowered;
	s1 =	sadd.s32 s1, s4;
	[dreg:$0x0] =	wrdreg $0x0  }
0x20: {  	s4 =	sshll.u32 s28, $0x1;
	[dreg:$0x2] =	wrdreg s1  }
0x21: {  	[dreg:$0x3] =	wrdreg s4  }
0x22: {  	[dreg:$0x4] =	wrdreg $0xC0  }
0x23: {  	_ =	task [dreg:s6], $0x5FFFF  }
0x24: {  	[dreg:$0x1] =	wrdreg $0xFFFFFFFF  }
0x25: {  	[dreg:$0x0] =	wrdreg $0x60  }
0x26: {  	[dreg:$0x2] =	wrdreg s25  }
0x27: {  	[dreg:$0x3] =	wrdreg $0x9  }
0x28: {  	_ =	task.clear_ibuf [dreg:s6], $0x4FFFF;
	_ =	strace $0x90000046  }
0x29: {  	s29 =	simm.s32 $0x9;
	_ =	strace $0x80000048  }
0x2a: {  	_ =	swait.ge [sflag:s29], $0x1  }
0x2b: {  	[sflag:s29] =	ssyncadd.s32 $0xFFFFFFFF  }
0x2c: {  	_ =	strace $0x90000048  }
0x2d: {  	_ =	sfence  }
0x2e: {  	s30 =	sld [smem:$0x0];
	_ =	sdelay $0x2  }
0x2f: {  	s31 =	sshll.u32 s3, $0xD;
	s3 =	sshrl.u32 s3, $0x2  }
0x30: {  	s2 =	sand.u32 $0x4000, s31;
	s1 =	sadd.s32 s3, s30  }
0x31: {  	s0 =	sor.u32 s2, s0;
	s1 =	sshll.u32 s1, $0x11  }
0x32: {  	s0 =	sor.u32 s1, s0  }
0x33: {  	s0 =	sadd.s32 $0x8F2B, s0  }
0x34: {  	[sflag:s0] =	ssyncadd.remote.s32 $0x1  }
0x35: {  	_ =	sfence.sel $0xFFFF  }
0x36: {  	[dreg:$0x0] =	wrdreg $0xFFFFFFFF;
	(pc) =	sbr.abs _section_cstart, $3  }
0x37: {  	[dreg:$0x1] =	wrdreg $0xFFFFFFFF  }
0x38: {  	_ =	task.clear_ibuf [dreg:s6], $0x2FFFF;
	_ =	strace $0x9FFFFFFF  }
0x39: {  	(tm) =	ssettm $0x7FFFFFFF  }
tec
execute0_lowered:
.L_overlay_start_1:
0x0: {  	(tag) =	ssettag $0x1  }
0x1: {  	s1 =	srdreg.scid  }
0x2: {  	s0 =	stileid.u32;
	s1 =	sshll.u32 s1, $0x4  }
0x3: {  	s1 =	sor.u32 s0, s1  }
0x4: {  	s4 =	simm.s32 $0x1;
	s1 =	sand.u32 $0x1E, s1  }
0x5: {  	s7 =	rddreg [dreg:$0x0];
	s8 =	simm.s32 $0x2;
	s2 =	ssub.s32 $0x20, s1  }
0x6: {  	s17 =	simm.s32 $0x0;
	s9 =	simm.s32 $0x20;
	s3 =	sand.u32 $0x1E, s2  }
0x7: {  	s10 =	simm.s32 $0x49800;
	s16 =	simm.s32 $0x0;
	p0 =	sne.s32 s3, $0x0  }
0x8: {  	s2 =	sshrl.u32 s2, $0x5;
	s3 =	sand.u32 $0x1, s0;
	s4 =	simm.s32 @!p0 $0x0  }
0x9: {  	s18 =	simm.s32 $0x0;
	s5 =	ssub.s32 $0x4, s3;
	s4 =	sadd.s32 s4, s2  }
0xa: {  	s19 =	simm.s32 $0x0;
	s11 =	simm.s32 $0x0;
	s6 =	smul.u32 s4, s5  }
.Ltmp0:
0xb: {  	s14 =	simm.s32 $0x0;
	s15 =	simm.s32 $0x0;
	(pc) =	sbr.rel .LBB1_1-.Ltmp0, $4  }
0xc: {  	s12 =	smov.u32 s1;
	p0 =	por $0x0, $0x0;
	s2 =	rddreg [dreg:$0x1]  }
0xd: {  	_ =	strace $0x80000047;
	s5 =	simm.s32 $0x1;
	s6 =	smul.u32 $0x15, s6  }
0xe: {  	s13 =	smov.u32 s3;
	s4 =	sadd.s32 $0x4800, s7;
	[sflag:s5] =	ssyncpa.u1 $0x0  }
0xf: {  	s7 =	sadd.s32 $0x12A800, s7;
	[sflag:s8] =	ssyncpa.u1 $0x0;
	s8 =	sadd.s32 $0x1, s6  }
.LBB1_4:
0x10: {  	[tilespmem:s20+$0x630 ss:$0x21] =	vst.msk $0xffff, v13;
	v7 =	vpack.i.b32.b16 v9, v7  }
0x11: {  	v49 =	vpack.i.b32.b16 v12, v10;
	[tilespmem:s20+$0x631 ss:$0x21] =	vst.msk $0xffff, v7  }
0x12: {  	v50 =	vunpack.i.l.s16.s32 v4;
	v51 =	vunpack.i.l.s16.s32 v5;
	v52 =	vpack.i.b32.b16 v11, v8;
	[tilespmem:s20+$0x840 ss:$0x21] =	vst.msk $0xffff, v49  }
0x13: {  	v56 =	vunpack.i.l.s16.s32 v6;
	v55 =	vpack.i.b32.b16 v51, v50;
	[tilespmem:s20+$0x841 ss:$0x21] =	vst.msk $0xffff, v52  }
0x14: {  	v58 =	vunpack.i.l.s16.s32 v2;
	v59 =	vunpack.i.l.s16.s32 v3;
	v1 =	vpack.i.b32.b16 v1, v56;
	[tilespmem:s20+$0xA50 ss:$0x21] =	vst.msk $0xffff, v55  }
0x15: {  	v53 =	vunpack.i.u.s16.s32 v4;
	v54 =	vunpack.i.u.s16.s32 v5;
	s18 =	smul.u32 $0x1500, s18;
	s19 =	sshll.u32 s19, $0x8;
	v62 =	vpack.i.b32.b16 v59, v58;
	[tilespmem:s20+$0x0 ss:$0x21] =	vst.msk $0xffff, v1  }
0x16: {  	v57 =	vunpack.i.u.s16.s32 v6;
	s17 =	smul.u32 $0x300, s17;
	v4 =	vpack.i.b32.b16 v54, v53;
	s19 =	sadd.s32 s7, s19;
	[tilespmem:s22+$0xC60 ss:$0x21] =	vst.msk $0xffff, v62  }
0x17: {  	v60 =	vunpack.i.u.s16.s32 v2;
	v61 =	vunpack.i.u.s16.s32 v3;
	s16 =	sshll.u32 s16, $0x3;
	v0 =	vpack.i.b32.b16 v0, v57;
	s18 =	sadd.s32 s18, s19;
	[tilespmem:s20+$0xA51 ss:$0x21] =	vst.msk $0xffff, v4  }
0x18: {  	v63 =	vpack.i.b32.b16 v61, v60;
	s16 =	sand.u32 $0xF0, s16;
	[tilespmem:s22+$0x1 ss:$0x21] =	vst.msk $0xffff, v0;
	s17 =	sadd.s32 s17, s18  }
0x19: {  	[tilespmem:s22+$0xC61 ss:$0x21] =	vst.msk $0xffff, v63;
	s16 =	sadd.s32 s16, s17  }
0x1a: {  	[hbm4b:s16+s9] =	stream.strided.scatter [tilespmem:s21], [sflag:$0x2], $0x1000, s10, s9, $0x10;
	[tilespmem:$0x4100] =	vst v63  }
.LBB1_5:
0x1b: {  	s20 =	sadd.s32 $0x1, s11  }
0x1c: {  	s16 =	sadd.s32 $0x20, s12;
	s21 =	smov.u32 s12;
	p2 =	sgt.s32 s20, $0x6  }
0x1d: {  	s21 =	smov.u32 @p2 s16  }
0x1e: {  	s22 =	smov.u32 s13;
	s16 =	sadd.s32 $0x2, s13;
	p3 =	sgt.s32 s21, $0x1F  }
0x1f: {  	s22 =	smov.u32 @p3 s16  }
0x20: {  	s16 =	simm.s32 $0x1;
	p4 =	sgt.s32 s22, $0x6  }
0x21: {  	s16 =	simm.s32 @!p4 $0x0  }
0x22: {  	p1 =	slt.u32 s15, $0x2;
	s24 =	sadd.s32 s16, s14  }
0x23: {  	s17 =	smov.u32 s11;
	s20 =	simm.s32 @p2 $0x0;
	p2 =	sgt.s32 s24, $0x2  }
0x24: {  	s23 =	simm.s32 @!p1 $0x2;
	s24 =	simm.s32 @p2 $0x0;
	p2 =	sne.s32 s15, s8  }
.Ltmp1:
0x25: {  	s18 =	smov.u32 s13;
	_ =	swait.ge @!p1 [sflag:s23], $0x1000;
	(pc) =	sbr.rel @!p2 .LBB1_6-.Ltmp1, $4  }
0x26: {  	s19 =	smov.u32 s14;
	p0 =	por !p0, !p0;
	[sflag:s23] =	ssyncset.done @!p1 $0x0  }
0x27: {  	s11 =	smov.u32 s20;
	s21 =	smov.u32 @p3 s1;
	[sflag:s23] =	ssyncadd.s32 @!p1 $0xFFFFF000  }
0x28: {  	s22 =	smov.u32 @p4 s3;
	s16 =	smov.u32 s12;
	s12 =	smov.u32 s21  }
0x29: {  	s13 =	smov.u32 s22;
	s15 =	sadd.s32 $0x1, s15;
	s14 =	smov.u32 s24  }
.LBB1_1:
0x2a: {  	p1 =	sge.u32 s15, s6  }
0x2b: {  	s20 =	smul.u32 @!p1 $0x62000, s14  }
0x2c: {  	s21 =	smul.u32 @!p1 $0xE000, s13  }
0x2d: {  	s31 =	sadd.s32 $0xFFFFFFFF, s15;
	s22 =	smul.u32 @!p1 $0x700, s12;
	s20 =	sadd.s32 @!p1 s4, s20  }
0x2e: {  	s23 =	sshll.u32 @!p1 s11, $0x8;
	s20 =	sadd.s32 @!p1 s21, s20;
	s21 =	sxor.u32 @!p1 $0xFFFFFFFF, s15  }
0x2f: {  	s20 =	sadd.s32 @!p1 s22, s20;
	s21 =	sshll.u32 @!p1 s21, $0xC;
	s22 =	simm.s32 @!p1 $0x800  }
0x30: {  	s20 =	sadd.s32 @!p1 s23, s20;
	s21 =	sand.u32 @!p1 $0x1000, s21;
	s23 =	simm.s32 @!p1 $0x3800  }
0x31: {  	[tilespmem:s21], [sflag:$0x1] =	stream.strided.gather @!p1 [hbm4b:s20+s22], $0x1000, s23, s22, $0x38;
	[tilespmem:$0x4100] =	vst v63  }
0x32: {  	p1 =	sge.u32 s31, s6  }
.Ltmp2:
0x33: {  	_ = 	snop;
	(pc) =	sbr.rel @p1 .LBB1_5-.Ltmp2, $1  }
0x34: {  	_ =	sdelay $0x3  }
0x35: {  	s20 =	simm.s32 $0x1  }
0x36: {  	_ =	swait.ge [sflag:s5], $0x1000;
	s20 =	simm.s32 @!p0 $0x0  }
0x37: {  	[sflag:s5] =	ssyncset.done $0x0;
	s21 =	sshll.u32 s20, $0xC  }
0x38: {  	[sflag:s5] =	ssyncadd.s32 $0xFFFFF000;
	s22 =	sor.u32 $0x800, s21  }
0x39: {  	v0 =	vld [tilespmem:s22+$0xFFFFF870]  }
0x3a: {  	v1 =	vld [tilespmem:s22+$0x70]  }
0x3b: {  	v2 =	vld [tilespmem:s22+$0x0]  }
0x3c: {  	v3 =	vld [tilespmem:s22+$0xFFFFF810]  }
0x3d: {  	v5 =	vld [tilespmem:s22+$0xFFFFF820]  }
0x3e: {  	v4 =	vld [tilespmem:s22+$0x10]  }
0x3f: {  	v6 =	vld [tilespmem:s22+$0x20]  }
0x40: {  	s20 =	smul.u32 $0x4200, s20;
	v9 =	vld [tilespmem:s22+$0xFFFFF830];
	v7 =	vunpack.i.l.s16.s32 v0;
	v8 =	vunpack.i.l.s16.s32 v1  }
0x41: {  	v10 =	vunpack.i.u.s16.s32 v0;
	v11 =	vunpack.i.u.s16.s32 v1;
	v0 =	vunpack.i.u.s16.s32 v2  }
0x42: {  	s20 =	sshrl.u32 s20, $0x2;
	v1 =	vunpack.i.l.s16.s32 v2;
	v2 =	vld [tilespmem:s22+$0x30];
	v13 =	vunpack.i.u.s16.s32 v5;
	v14 =	vunpack.i.l.s16.s32 v5  }
0x43: {  	v12 =	vld [tilespmem:s22+$0xFFFFF840];
	s20 =	sor.u32 $0x2000, s20;
	v7 =	vpack.i.b32.b16 v8, v7;
	v8 =	vpack.i.b32.b16 v11, v10;
	v10 =	vunpack.i.u.s16.s32 v3  }
0x44: {  	v15 =	vld [tilespmem:s22+$0x40];
	v3 =	vunpack.i.l.s16.s32 v3;
	v11 =	vunpack.i.u.s16.s32 v4;
	v4 =	vunpack.i.l.s16.s32 v4;
	[tilespmem:s20+$0xE70 ss:$0x21] =	vst.msk $0xffff, v7  }
0x45: {  	s31 =	sand.u32 $0x1, s15;
	v3 =	vpack.i.b32.b16 v4, v3;
	v4 =	vld [tilespmem:s22+$0xFFFFF850];
	v7 =	vunpack.i.u.s16.s32 v9;
	[tilespmem:s20+$0xE71 ss:$0x21] =	vst.msk $0xffff, v8;
	v8 =	vunpack.i.u.s16.s32 v6  }
0x46: {  	s21 =	smul.u32 $0x4200, s31;
	v5 =	vld [tilespmem:s22+$0x50];
	v6 =	vunpack.i.l.s16.s32 v6;
	[tilespmem:s20+$0x210 ss:$0x21] =	vst.msk $0xffff, v3;
	v3 =	vpack.i.b32.b16 v11, v10;
	v11 =	vunpack.i.l.s16.s32 v9  }
0x47: {  	[tilespmem:s20+$0x211 ss:$0x21] =	vst.msk $0xffff, v3;
	v3 =	vpack.i.b32.b16 v6, v14;
	v9 =	vunpack.i.u.s16.s32 v2;
	v14 =	vunpack.i.l.s16.s32 v2;
	v2 =	vld [tilespmem:s22+$0xFFFFF860]  }
0x48: {  	s23 =	simm.s32 $0x0;
	s21 =	sshrl.u32 s21, $0x2;
	v10 =	vunpack.i.l.s16.s32 v12;
	v13 =	vpack.i.b32.b16 v8, v13;
	v8 =	vunpack.i.u.s16.s32 v12;
	[tilespmem:s20+$0x420 ss:$0x21] =	vst.msk $0xffff, v3;
	v3 =	vld [tilespmem:s22+$0x60]  }
0x49: {  	s24 =	sadd.s32 $0x80, s22;
	s21 =	sor.u32 $0x2000, s21;
	v6 =	vld [tilespmem:s22+$0xFFFFF800];
	v12 =	vunpack.i.l.s16.s32 v15;
	s22 =	smov.u32 s20;
	[tilespmem:s20+$0x421 ss:$0x21] =	vst.msk $0xffff, v13;
	v13 =	vpack.i.b32.b16 v14, v11;
	v11 =	vunpack.i.u.s16.s32 v15  }
.LBB1_3:
0x4a: {  	v14 =	vld [tilespmem:s24+$0xFFFFF870];
	[tilespmem:s20+$0x630 ss:$0x21] =	vst.msk $0xffff, v13;
	v7 =	vpack.i.b32.b16 v9, v7;
	v9 =	vunpack.i.u.s16.s32 v4;
	v4 =	vunpack.i.l.s16.s32 v4  }
0x4b: {  	v13 =	vld [tilespmem:s24+$0x70];
	[tilespmem:s20+$0x631 ss:$0x21] =	vst.msk $0xffff, v7;
	v7 =	vpack.i.b32.b16 v12, v10;
	v10 =	vunpack.i.u.s16.s32 v5;
	v5 =	vunpack.i.l.s16.s32 v5  }
0x4c: {  	s23 =	sadd.s32 $0x2, s23;
	v12 =	vld [tilespmem:s24+$0x0];
	[tilespmem:s20+$0x840 ss:$0x21] =	vst.msk $0xffff, v7;
	v7 =	vpack.i.b32.b16 v11, v8;
	v8 =	vunpack.i.u.s16.s32 v2;
	v2 =	vunpack.i.l.s16.s32 v2  }
0x4d: {  	p1 =	slt.u32 s23, $0x1E;
	v4 =	vpack.i.b32.b16 v5, v4;
	v5 =	vunpack.i.u.s16.s32 v3;
	v3 =	vunpack.i.l.s16.s32 v3;
	v11 =	vld [tilespmem:s24+$0xFFFFF810];
	[tilespmem:s20+$0x841 ss:$0x21] =	vst.msk $0xffff, v7  }
0x4e: {  	v15 =	vunpack.i.u.s16.s32 v6;
	v6 =	vunpack.i.l.s16.s32 v6;
	v7 =	vld [tilespmem:s24+$0x10];
	[tilespmem:s20+$0xA50 ss:$0x21] =	vst.msk $0xffff, v4;
	v4 =	vpack.i.b32.b16 v10, v9  }
0x4f: {  	v1 =	vpack.i.b32.b16 v1, v6;
	v0 =	vpack.i.b32.b16 v0, v15;
	v2 =	vpack.i.b32.b16 v3, v2;
	v9 =	vld [tilespmem:s24+$0xFFFFF820];
	[tilespmem:s20+$0xA51 ss:$0x21] =	vst.msk $0xffff, v4  }
0x50: {  	v5 =	vpack.i.b32.b16 v5, v8;
	v4 =	vunpack.i.l.s16.s32 v14;
	v3 =	vld [tilespmem:s24+$0x20];
	v6 =	vunpack.i.l.s16.s32 v13;
	[tilespmem:s20+$0x0 ss:$0x21] =	vst.msk $0xffff, v1  }
0x51: {  	v10 =	vunpack.i.u.s16.s32 v14;
	v13 =	vunpack.i.u.s16.s32 v13;
	s20 =	sadd.s32 $0x2, s20;
	v8 =	vld [tilespmem:s24+$0xFFFFF830];
	v4 =	vpack.i.b32.b16 v6, v4;
	[tilespmem:s22+$0x1 ss:$0x21] =	vst.msk $0xffff, v0  }
0x52: {  	v0 =	vunpack.i.u.s16.s32 v12;
	v1 =	vunpack.i.l.s16.s32 v12;
	v6 =	vld [tilespmem:s24+$0x30];
	[tilespmem:s20+$0xE70 ss:$0x21] =	vst.msk $0xffff, v4;
	v4 =	vpack.i.b32.b16 v13, v10  }
0x53: {  	v10 =	vunpack.i.u.s16.s32 v11;
	v11 =	vunpack.i.l.s16.s32 v11;
	v12 =	vunpack.i.u.s16.s32 v7;
	v13 =	vld [tilespmem:s24+$0xFFFFF840];
	[tilespmem:s20+$0xE71 ss:$0x21] =	vst.msk $0xffff, v4  }
0x54: {  	v4 =	vunpack.i.l.s16.s32 v7;
	v14 =	vunpack.i.u.s16.s32 v9;
	v9 =	vunpack.i.l.s16.s32 v9;
	v15 =	vld [tilespmem:s24+$0x40];
	[tilespmem:s22+$0xC60 ss:$0x21] =	vst.msk $0xffff, v2  }
.Ltmp3:
0x55: {  	v2 =	vpack.i.b32.b16 v4, v11;
	v11 =	vunpack.i.u.s16.s32 v3;
	v3 =	vunpack.i.l.s16.s32 v3;
	v4 =	vld [tilespmem:s24+$0xFFFFF850];
	[tilespmem:s22+$0xC61 ss:$0x21] =	vst.msk $0xffff, v5;
	s22 =	smov.u32 s20;
	(pc) =	sbr.rel @p1 .LBB1_3-.Ltmp3, $4  }
0x56: {  	[tilespmem:s20+$0x210 ss:$0x21] =	vst.msk $0xffff, v2;
	v2 =	vpack.i.b32.b16 v12, v10;
	v7 =	vunpack.i.u.s16.s32 v8;
	v12 =	vunpack.i.l.s16.s32 v8;
	v5 =	vld [tilespmem:s24+$0x50]  }
0x57: {  	v3 =	vpack.i.b32.b16 v3, v9;
	[tilespmem:s20+$0x211 ss:$0x21] =	vst.msk $0xffff, v2;
	v9 =	vunpack.i.u.s16.s32 v6;
	v16 =	vunpack.i.l.s16.s32 v6;
	v2 =	vld [tilespmem:s24+$0xFFFFF860]  }
0x58: {  	v11 =	vpack.i.b32.b16 v11, v14;
	[tilespmem:s20+$0x420 ss:$0x21] =	vst.msk $0xffff, v3;
	v8 =	vunpack.i.u.s16.s32 v13;
	v10 =	vunpack.i.l.s16.s32 v13;
	v3 =	vld [tilespmem:s24+$0x60]  }
0x59: {  	v13 =	vpack.i.b32.b16 v16, v12;
	v6 =	vld [tilespmem:s24+$0xFFFFF800];
	[tilespmem:s20+$0x421 ss:$0x21] =	vst.msk $0xffff, v11;
	v11 =	vunpack.i.u.s16.s32 v15;
	v12 =	vunpack.i.l.s16.s32 v15;
	s24 =	sadd.s32 $0x80, s24  }
.Ltmp4:
0x5a: {  	_ = 	snop;
	(pc) =	sbr.rel .LBB1_4-.Ltmp4, $1  }
0x5b: {  	_ =	sdelay $0x3  }
.LBB1_6:
0x5c: {  	_ =	sfence.sel $0x180000  }
0x5d: {  	s1 =	simm.s32 $0x1;
	[bflag:$0x0] =	sbarrier.arrive $0xFFFF  }
0x5e: {  	s31 =	simm.s32 $0x2;
	[sflag:s1] =	ssyncpa.u1 $0x1  }
0x5f: {  	[sflag:s31] =	ssyncpa.u1 $0x1  }
0x60: {  	p0 =	sne.s32 s0, $0x0;
	_ =	strace $0x90000047  }
0x61: {  	s0 =	sadd.s32 @!p0 $0x100000, s2;
	[bflag:$0x2] =	sbarrier.arrive $0xFFFF  }
0x62: {  	[sflag:s0] =	ssyncadd.tile.s32 @!p0 $0x1;
	_ =	shalt  }
.Lfunc_end1:
_tile_overlayer_lowered:
.L_overlay_start_2:
0x63: {  	(tag) =	ssettag $0x2  }
0x64: {  	s0 =	rddreg [dreg:$0x0];
	s2 =	stileid.u32  }
0x65: {  	s1 =	rddreg [dreg:$0x1];
	p0 =	sne.s32 s2, $0x0  }
0x66: {  	s3 =	rddreg [dreg:$0x2];
	[bflag:$0x3] =	sbarrier.arrive $0xFFFF;
	s2 =	simm.s32 @!p0 $0x1C01  }
0x67: {  	[timem:s3], [sflag:s2] =	dma.local @!p0 [hbm:s0], s1  }
0x68: {  	s0 =	simm.s32 @!p0 $0x1  }
0x69: {  	_ =	swait.ge @!p0 [sflag:s0], s1  }
0x6a: {  	s1 =	ssub.s32 @!p0 $0x0, s1;
	[sflag:s0] =	ssyncset.done @!p0 $0x0  }
0x6b: {  	[sflag:s0] =	ssyncadd.s32 @!p0 s1  }
0x6c: {  	[bflag:$0x3] =	sbarrier.arrive $0xFFFF  }
0x6d: {  	_ =	shalt  }

</sc_bundles>
